<compile_context>
chip_gen: v7x
topology: tpu7x:2x2x1
jax: 0.10.2.dev20260603
libtpu: 0.0.44.dev20260713+nightly
codegen_flags: <defaults>
</compile_context>

<pallas_src>
import jax
import jax.numpy as jnp
from jax import lax
from jax.experimental import pallas as pl
from jax.experimental.pallas import tpu as pltpu
from jax.experimental.pallas import tpu_sc as plsc

D = 1024
L = 16
NW = 32
ROWS = 8192
ROWS_PER_W = ROWS // NW
R = 8
N_TILES = ROWS_PER_W // R
N_CHUNKS = D // L
NBUF = 4


def _permute_body(x_hbm, perm_hbm, z_hbm, perm_v, *bufs):
    xins = bufs[0:NBUF]
    outs = bufs[NBUF:2 * NBUF]
    in_sems = bufs[2 * NBUF:3 * NBUF]
    out_sems = bufs[3 * NBUF:4 * NBUF]
    wid = lax.axis_index("s") * 2 + lax.axis_index("c")

    for b in range(NBUF):
        pltpu.async_copy(x_hbm.at[pl.ds((b * NW + wid) * R, R)],
                         xins[b], in_sems[b])
    pltpu.sync_copy(perm_hbm, perm_v)

    @pl.loop(0, N_TILES, step=NBUF)
    def _t(t):
        for b in range(NBUF):
            tile = t + b
            row0 = (tile * NW + wid) * R
            xin_b = xins[b]
            out_b = outs[b]
            pltpu.make_async_copy(x_hbm.at[pl.ds(row0, R)],
                                  xin_b, in_sems[b]).wait()

            @pl.when(tile >= NBUF)
            def _():
                pltpu.make_async_copy(out_b, z_hbm.at[pl.ds(row0, R)],
                                      out_sems[b]).wait()

            @plsc.parallel_loop(0, N_CHUNKS, unroll=4)
            def _chunk(c):
                idx = perm_v[pl.ds(c * L, L)]
                for r in range(R):
                    row = jnp.full((L,), r, dtype=jnp.int32)
                    vals = plsc.load_gather(xin_b, [row, idx])
                    out_b[r, pl.ds(c * L, L)] = vals

            pltpu.async_copy(out_b, z_hbm.at[pl.ds(row0, R)], out_sems[b])

            nxt = tile + NBUF
            @pl.when(nxt < N_TILES)
            def _():
                pltpu.async_copy(x_hbm.at[pl.ds((nxt * NW + wid) * R, R)],
                                 xin_b, in_sems[b])

    for b in range(NBUF):
        pltpu.make_async_copy(outs[b], z_hbm.at[pl.ds(wid * R, R)],
                              out_sems[b]).wait()


@jax.jit
def _permute(x2, perm):
    mesh = plsc.VectorSubcoreMesh(core_axis_name="c", subcore_axis_name="s")
    return pl.kernel(
        _permute_body,
        out_type=jax.ShapeDtypeStruct((ROWS, D), jnp.float32),
        mesh=mesh,
        compiler_params=pltpu.CompilerParams(needs_layout_passes=False),
        scratch_types=(
            [pltpu.VMEM((D,), jnp.int32)]
            + [pltpu.VMEM((R, D), jnp.float32)] * (2 * NBUF)
            + [pltpu.SemaphoreType.DMA] * (2 * NBUF)
        ),
    )(x2, perm)


def kernel(x, perm):
    x2 = x.reshape(ROWS, D)
    z2 = _permute(x2, perm.astype(jnp.int32))
    z = z2.reshape(x.shape)
    log_det = jnp.zeros(x.shape[:-1], dtype=x.dtype)
    return (z, log_det)

# --- scband reference (transcript-rebuilt; emitter-appended) ---
"""Pipeline reference for scband-permute-3229815406751 (READ-ONLY COPY).

The authoritative reference and input builder live on the scoring server;
editing this copy changes nothing except your own understanding.
"""

import jax, jax.numpy as jnp
import numpy as np

D = 1024

def setup_inputs(seed: int = 0) -> dict:
    key = jax.random.key(seed)
    kx, kp = jax.random.split(key)
    x = jax.random.normal(kx, (4, 2048, D), dtype=jnp.float32)
    # fixed random permutation (buffer created in torch __init__ via torch.randperm)
    perm = jax.random.permutation(kp, jnp.arange(D, dtype=jnp.int64))
    return {"x": x, "perm": perm}

def reference(x, perm):
    # mode == 'shuffle': x = x[..., perm]
    z = jnp.take(x, perm, axis=-1)
    log_det = jnp.zeros(z.shape[:-1], dtype=z.dtype)
    # mask is None in this configuration; forward returns (z, log_det, mask=None)
    return (z, log_det)

if __name__ == "__main__":
    import jax
    _d = setup_inputs()
    print(jax.jit(kernel)(*tuple(_d.values())))

</pallas_src>

<mosaic_0001>
#map = affine_map<(d0, d1) -> (0, 0)>
#map1 = affine_map<(d0, d1) -> (0)>
module attributes {stable_mosaic.version = 14 : i64} {
  func.func @_permute_body(%arg0: i32, %arg1: i32, %arg2: memref<8192x1024xf32, #tpu.memory_space<hbm>>, %arg3: memref<1024xi32, #tpu.memory_space<hbm>>, %arg4: memref<8192x1024xf32, #tpu.memory_space<hbm>>, %arg5: memref<1024xi32, #tpu.memory_space<vmem>>, %arg6: memref<8x1024xf32, #tpu.memory_space<vmem>>, %arg7: memref<8x1024xf32, #tpu.memory_space<vmem>>, %arg8: memref<8x1024xf32, #tpu.memory_space<vmem>>, %arg9: memref<8x1024xf32, #tpu.memory_space<vmem>>, %arg10: memref<8x1024xf32, #tpu.memory_space<vmem>>, %arg11: memref<8x1024xf32, #tpu.memory_space<vmem>>, %arg12: memref<8x1024xf32, #tpu.memory_space<vmem>>, %arg13: memref<8x1024xf32, #tpu.memory_space<vmem>>, %arg14: memref<!tpu.dma_semaphore, #tpu.memory_space<semaphore_mem>>, %arg15: memref<!tpu.dma_semaphore, #tpu.memory_space<semaphore_mem>>, %arg16: memref<!tpu.dma_semaphore, #tpu.memory_space<semaphore_mem>>, %arg17: memref<!tpu.dma_semaphore, #tpu.memory_space<semaphore_mem>>, %arg18: memref<!tpu.dma_semaphore, #tpu.memory_space<semaphore_mem>>, %arg19: memref<!tpu.dma_semaphore, #tpu.memory_space<semaphore_mem>>, %arg20: memref<!tpu.dma_semaphore, #tpu.memory_space<semaphore_mem>>, %arg21: memref<!tpu.dma_semaphore, #tpu.memory_space<semaphore_mem>>) attributes {dimension_semantics = [#tpu.dimension_semantics<core_parallel>, #tpu.dimension_semantics<subcore_parallel>], iteration_bounds = array<i64: 2, 16>, scalar_prefetch = 0 : i64, scratch_operands = 17 : i64, tpu.core_type = #tpu.core_type<sc_vector_subcore>, window_params = [{transform_indices = #map}, {transform_indices = #map1}, {transform_indices = #map}]} {
    %mul3A = arith.constant 2 : i32
    %mul3A_0 = arith.muli %arg1, %mul3A : i32
    %add3A = arith.addi %mul3A_0, %arg0 : i32
    %add3A_1 = arith.constant 0 : i32
    %add3A_2 = arith.addi %add3A_1, %add3A : i32
    %mul3A_3 = arith.constant 8 : i32
    %mul3A_4 = arith.muli %add3A_2, %mul3A_3 : i32
    %dma_start3A = arith.constant 0 : i32
    %dma_start3A_5 = tpu.memref_slice %arg2[%mul3A_4, %dma_start3A] : memref<8192x1024xf32, #tpu.memory_space<hbm>> -> memref<8x1024xf32, #tpu.memory_space<hbm>>
    %dma_start3A_6 = arith.constant 0 : i32
    %dma_start3A_7 = tpu.memref_slice %arg2[%mul3A_4, %dma_start3A_6] : memref<8192x1024xf32, #tpu.memory_space<hbm>> -> memref<8x1024xf32, #tpu.memory_space<hbm>>
    tpu.enqueue_dma source(%dma_start3A_7 : memref<8x1024xf32, #tpu.memory_space<hbm>>) target(%arg6 : memref<8x1024xf32, #tpu.memory_space<vmem>>) target_semaphore(%arg14 : memref<!tpu.dma_semaphore, #tpu.memory_space<semaphore_mem>>)
    %add3A_8 = arith.constant 32 : i32
    %add3A_9 = arith.addi %add3A_8, %add3A : i32
    %mul3A_10 = arith.constant 8 : i32
    %mul3A_11 = arith.muli %add3A_9, %mul3A_10 : i32
    %dma_start3A_12 = arith.constant 0 : i32
    %dma_start3A_13 = tpu.memref_slice %arg2[%mul3A_11, %dma_start3A_12] : memref<8192x1024xf32, #tpu.memory_space<hbm>> -> memref<8x1024xf32, #tpu.memory_space<hbm>>
    %dma_start3A_14 = arith.constant 0 : i32
    %dma_start3A_15 = tpu.memref_slice %arg2[%mul3A_11, %dma_start3A_14] : memref<8192x1024xf32, #tpu.memory_space<hbm>> -> memref<8x1024xf32, #tpu.memory_space<hbm>>
    tpu.enqueue_dma source(%dma_start3A_15 : memref<8x1024xf32, #tpu.memory_space<hbm>>) target(%arg7 : memref<8x1024xf32, #tpu.memory_space<vmem>>) target_semaphore(%arg15 : memref<!tpu.dma_semaphore, #tpu.memory_space<semaphore_mem>>)
    %add3A_16 = arith.constant 64 : i32
    %add3A_17 = arith.addi %add3A_16, %add3A : i32
    %mul3A_18 = arith.constant 8 : i32
    %mul3A_19 = arith.muli %add3A_17, %mul3A_18 : i32
    %dma_start3A_20 = arith.constant 0 : i32
    %dma_start3A_21 = tpu.memref_slice %arg2[%mul3A_19, %dma_start3A_20] : memref<8192x1024xf32, #tpu.memory_space<hbm>> -> memref<8x1024xf32, #tpu.memory_space<hbm>>
    %dma_start3A_22 = arith.constant 0 : i32
    %dma_start3A_23 = tpu.memref_slice %arg2[%mul3A_19, %dma_start3A_22] : memref<8192x1024xf32, #tpu.memory_space<hbm>> -> memref<8x1024xf32, #tpu.memory_space<hbm>>
    tpu.enqueue_dma source(%dma_start3A_23 : memref<8x1024xf32, #tpu.memory_space<hbm>>) target(%arg8 : memref<8x1024xf32, #tpu.memory_space<vmem>>) target_semaphore(%arg16 : memref<!tpu.dma_semaphore, #tpu.memory_space<semaphore_mem>>)
    %add3A_24 = arith.constant 96 : i32
    %add3A_25 = arith.addi %add3A_24, %add3A : i32
    %mul3A_26 = arith.constant 8 : i32
    %mul3A_27 = arith.muli %add3A_25, %mul3A_26 : i32
    %dma_start3A_28 = arith.constant 0 : i32
    %dma_start3A_29 = tpu.memref_slice %arg2[%mul3A_27, %dma_start3A_28] : memref<8192x1024xf32, #tpu.memory_space<hbm>> -> memref<8x1024xf32, #tpu.memory_space<hbm>>
    %dma_start3A_30 = arith.constant 0 : i32
    %dma_start3A_31 = tpu.memref_slice %arg2[%mul3A_27, %dma_start3A_30] : memref<8192x1024xf32, #tpu.memory_space<hbm>> -> memref<8x1024xf32, #tpu.memory_space<hbm>>
    tpu.enqueue_dma source(%dma_start3A_31 : memref<8x1024xf32, #tpu.memory_space<hbm>>) target(%arg9 : memref<8x1024xf32, #tpu.memory_space<vmem>>) target_semaphore(%arg17 : memref<!tpu.dma_semaphore, #tpu.memory_space<semaphore_mem>>)
    "tpu.region"() ({
      %run_scoped3A = tpu.sem_alloc : memref<!tpu.dma_semaphore, #tpu.memory_space<semaphore_mem>>
      tpu.enqueue_dma source(%arg3 : memref<1024xi32, #tpu.memory_space<hbm>>) target(%arg5 : memref<1024xi32, #tpu.memory_space<vmem>>) target_semaphore(%run_scoped3A : memref<!tpu.dma_semaphore, #tpu.memory_space<semaphore_mem>>)
      tpu.wait_dma2 semaphore(%run_scoped3A : memref<!tpu.dma_semaphore, #tpu.memory_space<semaphore_mem>>) src(%arg3 : memref<1024xi32, #tpu.memory_space<hbm>>) dst(%arg5 : memref<1024xi32, #tpu.memory_space<vmem>>)
      tpu.yield
    }) : () -> ()
    %scan3A = arith.constant 0 : i32
    %scan3A_32 = arith.constant 8 : i32
    %scan3A_33 = arith.addi %scan3A, %scan3A_32 : i32
    %scan3A_34 = arith.constant 1 : i32
    scf.for %scan3A_59 = %scan3A to %scan3A_33 step %scan3A_34  : i32 {
      %mul3A_60 = arith.constant 4 : i32
      %mul3A_61 = arith.muli %scan3A_59, %mul3A_60 : i32
      %add3A_62 = arith.constant 0 : i32
      %add3A_63 = arith.addi %add3A_62, %mul3A_61 : i32
      %add3A_64 = arith.constant 0 : i32
      %add3A_65 = arith.addi %add3A_63, %add3A_64 : i32
      %mul3A_66 = arith.constant 32 : i32
      %mul3A_67 = arith.muli %add3A_65, %mul3A_66 : i32
      %add3A_68 = arith.addi %mul3A_67, %add3A : i32
      %mul3A_69 = arith.constant 8 : i32
      %mul3A_70 = arith.muli %add3A_68, %mul3A_69 : i32
      %dma_wait3A_71 = arith.constant 0 : i32
      %dma_wait3A_72 = tpu.memref_slice %arg2[%mul3A_70, %dma_wait3A_71] : memref<8192x1024xf32, #tpu.memory_space<hbm>> -> memref<8x1024xf32, #tpu.memory_space<hbm>>
      %dma_wait3A_73 = arith.constant 0 : i32
      %dma_wait3A_74 = tpu.memref_slice %arg2[%mul3A_70, %dma_wait3A_73] : memref<8192x1024xf32, #tpu.memory_space<hbm>> -> memref<8x1024xf32, #tpu.memory_space<hbm>>
      tpu.wait_dma2 semaphore(%arg14 : memref<!tpu.dma_semaphore, #tpu.memory_space<semaphore_mem>>) src(%dma_wait3A_74 : memref<8x1024xf32, #tpu.memory_space<hbm>>) dst(%arg6 : memref<8x1024xf32, #tpu.memory_space<vmem>>)
      %ge3A = arith.constant 4 : i32
      %ge3A_75 = arith.cmpi sge, %add3A_65, %ge3A : i32
      %convert_element_type3A = arith.extui %ge3A_75 : i1 to i32
      %cond3A = arith.constant 0 : i32
      %cond3A_76 = arith.cmpi ne, %convert_element_type3A, %cond3A : i32
      scf.if %cond3A_76 {
        %dma_wait3A_179 = arith.constant 0 : i32
        %dma_wait3A_180 = tpu.memref_slice %arg4[%mul3A_70, %dma_wait3A_179] : memref<8192x1024xf32, #tpu.memory_space<hbm>> -> memref<8x1024xf32, #tpu.memory_space<hbm>>
        %dma_wait3A_181 = arith.constant 0 : i32
        %dma_wait3A_182 = tpu.memref_slice %arg4[%mul3A_70, %dma_wait3A_181] : memref<8192x1024xf32, #tpu.memory_space<hbm>> -> memref<8x1024xf32, #tpu.memory_space<hbm>>
        tpu.wait_dma2 semaphore(%arg18 : memref<!tpu.dma_semaphore, #tpu.memory_space<semaphore_mem>>) src(%arg10 : memref<8x1024xf32, #tpu.memory_space<vmem>>) dst(%dma_wait3A_182 : memref<8x1024xf32, #tpu.memory_space<hbm>>)
      } else {
      }
      %parallel_loop3A = arith.constant 0 : i32
      %parallel_loop3A_77 = arith.constant 64 : i32
      %parallel_loop3A_78 = arith.constant 1 : i32
      scf.for %parallel_loop3A_179 = %parallel_loop3A to %parallel_loop3A_77 step %parallel_loop3A_78  : i32 {
        %parallel_loop3A_180 = arith.constant 16 : i32
        %parallel_loop3A_181 = arith.muli %parallel_loop3A_179, %parallel_loop3A_180 : i32
        %parallel_loop3A_182 = arith.index_cast %parallel_loop3A_181 : i32 to index
        %parallel_loop3A_183 = tpu.vector_load %arg5[%parallel_loop3A_182] {strides = array<i32>} : memref<1024xi32, #tpu.memory_space<vmem>>, vector<16xi32>,
        %parallel_loop3A_184 = arith.constant 0 : i32
        %parallel_loop3A_185 = vector.broadcast %parallel_loop3A_184 : i32 to vector<16xi32>
        %parallel_loop3A_186 = tpu.vector_load_idx %arg6[%parallel_loop3A_185, %parallel_loop3A_183] : memref<8x1024xf32, #tpu.memory_space<vmem>>[vector<16xi32>, vector<16xi32>], vector<16xf32>,
        %parallel_loop3A_187 = arith.constant 16 : i32
        %parallel_loop3A_188 = arith.muli %parallel_loop3A_179, %parallel_loop3A_187 : i32
        %parallel_loop3A_189 = arith.constant 0 : i32
        %parallel_loop3A_190 = arith.index_cast %parallel_loop3A_189 : i32 to index
        %parallel_loop3A_191 = arith.index_cast %parallel_loop3A_188 : i32 to index
        %parallel_loop3A_192 = tpu.vector_load %arg10[%parallel_loop3A_190, %parallel_loop3A_191] {strides = array<i32>} : memref<8x1024xf32, #tpu.memory_space<vmem>>, vector<16xf32>,
        tpu.vector_store %arg10[%parallel_loop3A_190, %parallel_loop3A_191], %parallel_loop3A_186 {strides = array<i32>} : memref<8x1024xf32, #tpu.memory_space<vmem>>, vector<16xf32>,
        %parallel_loop3A_193 = arith.constant 1 : i32
        %parallel_loop3A_194 = vector.broadcast %parallel_loop3A_193 : i32 to vector<16xi32>
        %parallel_loop3A_195 = tpu.vector_load_idx %arg6[%parallel_loop3A_194, %parallel_loop3A_183] : memref<8x1024xf32, #tpu.memory_space<vmem>>[vector<16xi32>, vector<16xi32>], vector<16xf32>,
        %parallel_loop3A_196 = arith.constant 16 : i32
        %parallel_loop3A_197 = arith.muli %parallel_loop3A_179, %parallel_loop3A_196 : i32
        %parallel_loop3A_198 = arith.constant 1 : i32
        %parallel_loop3A_199 = arith.index_cast %parallel_loop3A_198 : i32 to index
        %parallel_loop3A_200 = arith.index_cast %parallel_loop3A_197 : i32 to index
        %parallel_loop3A_201 = tpu.vector_load %arg10[%parallel_loop3A_199, %parallel_loop3A_200] {strides = array<i32>} : memref<8x1024xf32, #tpu.memory_space<vmem>>, vector<16xf32>,
        tpu.vector_store %arg10[%parallel_loop3A_199, %parallel_loop3A_200], %parallel_loop3A_195 {strides = array<i32>} : memref<8x1024xf32, #tpu.memory_space<vmem>>, vector<16xf32>,
        %parallel_loop3A_202 = arith.constant 2 : i32
        %parallel_loop3A_203 = vector.broadcast %parallel_loop3A_202 : i32 to vector<16xi32>
        %parallel_loop3A_204 = tpu.vector_load_idx %arg6[%parallel_loop3A_203, %parallel_loop3A_183] : memref<8x1024xf32, #tpu.memory_space<vmem>>[vector<16xi32>, vector<16xi32>], vector<16xf32>,
        %parallel_loop3A_205 = arith.constant 16 : i32
        %parallel_loop3A_206 = arith.muli %parallel_loop3A_179, %parallel_loop3A_205 : i32
        %parallel_loop3A_207 = arith.constant 2 : i32
        %parallel_loop3A_208 = arith.index_cast %parallel_loop3A_207 : i32 to index
        %parallel_loop3A_209 = arith.index_cast %parallel_loop3A_206 : i32 to index
        %parallel_loop3A_210 = tpu.vector_load %arg10[%parallel_loop3A_208, %parallel_loop3A_209] {strides = array<i32>} : memref<8x1024xf32, #tpu.memory_space<vmem>>, vector<16xf32>,
        tpu.vector_store %arg10[%parallel_loop3A_208, %parallel_loop3A_209], %parallel_loop3A_204 {strides = array<i32>} : memref<8x1024xf32, #tpu.memory_space<vmem>>, vector<16xf32>,
        %parallel_loop3A_211 = arith.constant 3 : i32
        %parallel_loop3A_212 = vector.broadcast %parallel_loop3A_211 : i32 to vector<16xi32>
        %parallel_loop3A_213 = tpu.vector_load_idx %arg6[%parallel_loop3A_212, %parallel_loop3A_183] : memref<8x1024xf32, #tpu.memory_space<vmem>>[vector<16xi32>, vector<16xi32>], vector<16xf32>,
        %parallel_loop3A_214 = arith.constant 16 : i32
        %parallel_loop3A_215 = arith.muli %parallel_loop3A_179, %parallel_loop3A_214 : i32
        %parallel_loop3A_216 = arith.constant 3 : i32
        %parallel_loop3A_217 = arith.index_cast %parallel_loop3A_216 : i32 to index
        %parallel_loop3A_218 = arith.index_cast %parallel_loop3A_215 : i32 to index
        %parallel_loop3A_219 = tpu.vector_load %arg10[%parallel_loop3A_217, %parallel_loop3A_218] {strides = array<i32>} : memref<8x1024xf32, #tpu.memory_space<vmem>>, vector<16xf32>,
        tpu.vector_store %arg10[%parallel_loop3A_217, %parallel_loop3A_218], %parallel_loop3A_213 {strides = array<i32>} : memref<8x1024xf32, #tpu.memory_space<vmem>>, vector<16xf32>,
        %parallel_loop3A_220 = arith.constant 4 : i32
        %parallel_loop3A_221 = vector.broadcast %parallel_loop3A_220 : i32 to vector<16xi32>
        %parallel_loop3A_222 = tpu.vector_load_idx %arg6[%parallel_loop3A_221, %parallel_loop3A_183] : memref<8x1024xf32, #tpu.memory_space<vmem>>[vector<16xi32>, vector<16xi32>], vector<16xf32>,
        %parallel_loop3A_223 = arith.constant 16 : i32
        %parallel_loop3A_224 = arith.muli %parallel_loop3A_179, %parallel_loop3A_223 : i32
        %parallel_loop3A_225 = arith.constant 4 : i32
        %parallel_loop3A_226 = arith.index_cast %parallel_loop3A_225 : i32 to index
        %parallel_loop3A_227 = arith.index_cast %parallel_loop3A_224 : i32 to index
        %parallel_loop3A_228 = tpu.vector_load %arg10[%parallel_loop3A_226, %parallel_loop3A_227] {strides = array<i32>} : memref<8x1024xf32, #tpu.memory_space<vmem>>, vector<16xf32>,
        tpu.vector_store %arg10[%parallel_loop3A_226, %parallel_loop3A_227], %parallel_loop3A_222 {strides = array<i32>} : memref<8x1024xf32, #tpu.memory_space<vmem>>, vector<16xf32>,
        %parallel_loop3A_229 = arith.constant 5 : i32
        %parallel_loop3A_230 = vector.broadcast %parallel_loop3A_229 : i32 to vector<16xi32>
        %parallel_loop3A_231 = tpu.vector_load_idx %arg6[%parallel_loop3A_230, %parallel_loop3A_183] : memref<8x1024xf32, #tpu.memory_space<vmem>>[vector<16xi32>, vector<16xi32>], vector<16xf32>,
        %parallel_loop3A_232 = arith.constant 16 : i32
        %parallel_loop3A_233 = arith.muli %parallel_loop3A_179, %parallel_loop3A_232 : i32
        %parallel_loop3A_234 = arith.constant 5 : i32
        %parallel_loop3A_235 = arith.index_cast %parallel_loop3A_234 : i32 to index
        %parallel_loop3A_236 = arith.index_cast %parallel_loop3A_233 : i32 to index
        %parallel_loop3A_237 = tpu.vector_load %arg10[%parallel_loop3A_235, %parallel_loop3A_236] {strides = array<i32>} : memref<8x1024xf32, #tpu.memory_space<vmem>>, vector<16xf32>,
        tpu.vector_store %arg10[%parallel_loop3A_235, %parallel_loop3A_236], %parallel_loop3A_231 {strides = array<i32>} : memref<8x1024xf32, #tpu.memory_space<vmem>>, vector<16xf32>,
        %parallel_loop3A_238 = arith.constant 6 : i32
        %parallel_loop3A_239 = vector.broadcast %parallel_loop3A_238 : i32 to vector<16xi32>
        %parallel_loop3A_240 = tpu.vector_load_idx %arg6[%parallel_loop3A_239, %parallel_loop3A_183] : memref<8x1024xf32, #tpu.memory_space<vmem>>[vector<16xi32>, vector<16xi32>], vector<16xf32>,
        %parallel_loop3A_241 = arith.constant 16 : i32
        %parallel_loop3A_242 = arith.muli %parallel_loop3A_179, %parallel_loop3A_241 : i32
        %parallel_loop3A_243 = arith.constant 6 : i32
        %parallel_loop3A_244 = arith.index_cast %parallel_loop3A_243 : i32 to index
        %parallel_loop3A_245 = arith.index_cast %parallel_loop3A_242 : i32 to index
        %parallel_loop3A_246 = tpu.vector_load %arg10[%parallel_loop3A_244, %parallel_loop3A_245] {strides = array<i32>} : memref<8x1024xf32, #tpu.memory_space<vmem>>, vector<16xf32>,
        tpu.vector_store %arg10[%parallel_loop3A_244, %parallel_loop3A_245], %parallel_loop3A_240 {strides = array<i32>} : memref<8x1024xf32, #tpu.memory_space<vmem>>, vector<16xf32>,
        %parallel_loop3A_247 = arith.constant 7 : i32
        %parallel_loop3A_248 = vector.broadcast %parallel_loop3A_247 : i32 to vector<16xi32>
        %parallel_loop3A_249 = tpu.vector_load_idx %arg6[%parallel_loop3A_248, %parallel_loop3A_183] : memref<8x1024xf32, #tpu.memory_space<vmem>>[vector<16xi32>, vector<16xi32>], vector<16xf32>,
        %parallel_loop3A_250 = arith.constant 16 : i32
        %parallel_loop3A_251 = arith.muli %parallel_loop3A_179, %parallel_loop3A_250 : i32
        %parallel_loop3A_252 = arith.constant 7 : i32
        %parallel_loop3A_253 = arith.index_cast %parallel_loop3A_252 : i32 to index
        %parallel_loop3A_254 = arith.index_cast %parallel_loop3A_251 : i32 to index
        %parallel_loop3A_255 = tpu.vector_load %arg10[%parallel_loop3A_253, %parallel_loop3A_254] {strides = array<i32>} : memref<8x1024xf32, #tpu.memory_space<vmem>>, vector<16xf32>,
        tpu.vector_store %arg10[%parallel_loop3A_253, %parallel_loop3A_254], %parallel_loop3A_249 {strides = array<i32>} : memref<8x1024xf32, #tpu.memory_space<vmem>>, vector<16xf32>,
      } {sc.loop_unroll_factor = 4 : i64, sc.parallel_access}
      %dma_start3A_79 = arith.constant 0 : i32
      %dma_start3A_80 = tpu.memref_slice %arg4[%mul3A_70, %dma_start3A_79] : memref<8192x1024xf32, #tpu.memory_space<hbm>> -> memref<8x1024xf32, #tpu.memory_space<hbm>>
      %dma_start3A_81 = arith.constant 0 : i32
      %dma_start3A_82 = tpu.memref_slice %arg4[%mul3A_70, %dma_start3A_81] : memref<8192x1024xf32, #tpu.memory_space<hbm>> -> memref<8x1024xf32, #tpu.memory_space<hbm>>
      tpu.enqueue_dma source(%arg10 : memref<8x1024xf32, #tpu.memory_space<vmem>>) target(%dma_start3A_82 : memref<8x1024xf32, #tpu.memory_space<hbm>>) target_semaphore(%arg18 : memref<!tpu.dma_semaphore, #tpu.memory_space<semaphore_mem>>)
      %add3A_83 = arith.constant 4 : i32
      %add3A_84 = arith.addi %add3A_65, %add3A_83 : i32
      %lt3A = arith.constant 32 : i32
      %lt3A_85 = arith.cmpi slt, %add3A_84, %lt3A : i32
      %convert_element_type3A_86 = arith.extui %lt3A_85 : i1 to i32
      %cond3A_87 = arith.constant 0 : i32
      %cond3A_88 = arith.cmpi ne, %convert_element_type3A_86, %cond3A_87 : i32
      scf.if %cond3A_88 {
        %mul3A_179 = arith.constant 32 : i32
        %mul3A_180 = arith.muli %add3A_84, %mul3A_179 : i32
        %add3A_181 = arith.addi %mul3A_180, %add3A : i32
        %mul3A_182 = arith.constant 8 : i32
        %mul3A_183 = arith.muli %add3A_181, %mul3A_182 : i32
        %dma_start3A_184 = arith.constant 0 : i32
        %dma_start3A_185 = tpu.memref_slice %arg2[%mul3A_183, %dma_start3A_184] : memref<8192x1024xf32, #tpu.memory_space<hbm>> -> memref<8x1024xf32, #tpu.memory_space<hbm>>
        %dma_start3A_186 = arith.constant 0 : i32
        %dma_start3A_187 = tpu.memref_slice %arg2[%mul3A_183, %dma_start3A_186] : memref<8192x1024xf32, #tpu.memory_space<hbm>> -> memref<8x1024xf32, #tpu.memory_space<hbm>>
        tpu.enqueue_dma source(%dma_start3A_187 : memref<8x1024xf32, #tpu.memory_space<hbm>>) target(%arg6 : memref<8x1024xf32, #tpu.memory_space<vmem>>) target_semaphore(%arg14 : memref<!tpu.dma_semaphore, #tpu.memory_space<semaphore_mem>>)
      } else {
      }
      %add3A_89 = arith.constant 1 : i32
      %add3A_90 = arith.addi %add3A_63, %add3A_89 : i32
      %mul3A_91 = arith.constant 32 : i32
      %mul3A_92 = arith.muli %add3A_90, %mul3A_91 : i32
      %add3A_93 = arith.addi %mul3A_92, %add3A : i32
      %mul3A_94 = arith.constant 8 : i32
      %mul3A_95 = arith.muli %add3A_93, %mul3A_94 : i32
      %dma_wait3A_96 = arith.constant 0 : i32
      %dma_wait3A_97 = tpu.memref_slice %arg2[%mul3A_95, %dma_wait3A_96] : memref<8192x1024xf32, #tpu.memory_space<hbm>> -> memref<8x1024xf32, #tpu.memory_space<hbm>>
      %dma_wait3A_98 = arith.constant 0 : i32
      %dma_wait3A_99 = tpu.memref_slice %arg2[%mul3A_95, %dma_wait3A_98] : memref<8192x1024xf32, #tpu.memory_space<hbm>> -> memref<8x1024xf32, #tpu.memory_space<hbm>>
      tpu.wait_dma2 semaphore(%arg15 : memref<!tpu.dma_semaphore, #tpu.memory_space<semaphore_mem>>) src(%dma_wait3A_99 : memref<8x1024xf32, #tpu.memory_space<hbm>>) dst(%arg7 : memref<8x1024xf32, #tpu.memory_space<vmem>>)
      %ge3A_100 = arith.constant 4 : i32
      %ge3A_101 = arith.cmpi sge, %add3A_90, %ge3A_100 : i32
      %convert_element_type3A_102 = arith.extui %ge3A_101 : i1 to i32
      %cond3A_103 = arith.constant 0 : i32
      %cond3A_104 = arith.cmpi ne, %convert_element_type3A_102, %cond3A_103 : i32
      scf.if %cond3A_104 {
        %dma_wait3A_179 = arith.constant 0 : i32
        %dma_wait3A_180 = tpu.memref_slice %arg4[%mul3A_95, %dma_wait3A_179] : memref<8192x1024xf32, #tpu.memory_space<hbm>> -> memref<8x1024xf32, #tpu.memory_space<hbm>>
        %dma_wait3A_181 = arith.constant 0 : i32
        %dma_wait3A_182 = tpu.memref_slice %arg4[%mul3A_95, %dma_wait3A_181] : memref<8192x1024xf32, #tpu.memory_space<hbm>> -> memref<8x1024xf32, #tpu.memory_space<hbm>>
        tpu.wait_dma2 semaphore(%arg19 : memref<!tpu.dma_semaphore, #tpu.memory_space<semaphore_mem>>) src(%arg11 : memref<8x1024xf32, #tpu.memory_space<vmem>>) dst(%dma_wait3A_182 : memref<8x1024xf32, #tpu.memory_space<hbm>>)
      } else {
      }
      %parallel_loop3A_105 = arith.constant 0 : i32
      %parallel_loop3A_106 = arith.constant 64 : i32
      %parallel_loop3A_107 = arith.constant 1 : i32
      scf.for %parallel_loop3A_179 = %parallel_loop3A_105 to %parallel_loop3A_106 step %parallel_loop3A_107  : i32 {
        %parallel_loop3A_180 = arith.constant 16 : i32
        %parallel_loop3A_181 = arith.muli %parallel_loop3A_179, %parallel_loop3A_180 : i32
        %parallel_loop3A_182 = arith.index_cast %parallel_loop3A_181 : i32 to index
        %parallel_loop3A_183 = tpu.vector_load %arg5[%parallel_loop3A_182] {strides = array<i32>} : memref<1024xi32, #tpu.memory_space<vmem>>, vector<16xi32>,
        %parallel_loop3A_184 = arith.constant 0 : i32
        %parallel_loop3A_185 = vector.broadcast %parallel_loop3A_184 : i32 to vector<16xi32>
        %parallel_loop3A_186 = tpu.vector_load_idx %arg7[%parallel_loop3A_185, %parallel_loop3A_183] : memref<8x1024xf32, #tpu.memory_space<vmem>>[vector<16xi32>, vector<16xi32>], vector<16xf32>,
        %parallel_loop3A_187 = arith.constant 16 : i32
        %parallel_loop3A_188 = arith.muli %parallel_loop3A_179, %parallel_loop3A_187 : i32
        %parallel_loop3A_189 = arith.constant 0 : i32
        %parallel_loop3A_190 = arith.index_cast %parallel_loop3A_189 : i32 to index
        %parallel_loop3A_191 = arith.index_cast %parallel_loop3A_188 : i32 to index
        %parallel_loop3A_192 = tpu.vector_load %arg11[%parallel_loop3A_190, %parallel_loop3A_191] {strides = array<i32>} : memref<8x1024xf32, #tpu.memory_space<vmem>>, vector<16xf32>,
        tpu.vector_store %arg11[%parallel_loop3A_190, %parallel_loop3A_191], %parallel_loop3A_186 {strides = array<i32>} : memref<8x1024xf32, #tpu.memory_space<vmem>>, vector<16xf32>,
        %parallel_loop3A_193 = arith.constant 1 : i32
        %parallel_loop3A_194 = vector.broadcast %parallel_loop3A_193 : i32 to vector<16xi32>
        %parallel_loop3A_195 = tpu.vector_load_idx %arg7[%parallel_loop3A_194, %parallel_loop3A_183] : memref<8x1024xf32, #tpu.memory_space<vmem>>[vector<16xi32>, vector<16xi32>], vector<16xf32>,
        %parallel_loop3A_196 = arith.constant 16 : i32
        %parallel_loop3A_197 = arith.muli %parallel_loop3A_179, %parallel_loop3A_196 : i32
        %parallel_loop3A_198 = arith.constant 1 : i32
        %parallel_loop3A_199 = arith.index_cast %parallel_loop3A_198 : i32 to index
        %parallel_loop3A_200 = arith.index_cast %parallel_loop3A_197 : i32 to index
        %parallel_loop3A_201 = tpu.vector_load %arg11[%parallel_loop3A_199, %parallel_loop3A_200] {strides = array<i32>} : memref<8x1024xf32, #tpu.memory_space<vmem>>, vector<16xf32>,
        tpu.vector_store %arg11[%parallel_loop3A_199, %parallel_loop3A_200], %parallel_loop3A_195 {strides = array<i32>} : memref<8x1024xf32, #tpu.memory_space<vmem>>, vector<16xf32>,
        %parallel_loop3A_202 = arith.constant 2 : i32
        %parallel_loop3A_203 = vector.broadcast %parallel_loop3A_202 : i32 to vector<16xi32>
        %parallel_loop3A_204 = tpu.vector_load_idx %arg7[%parallel_loop3A_203, %parallel_loop3A_183] : memref<8x1024xf32, #tpu.memory_space<vmem>>[vector<16xi32>, vector<16xi32>], vector<16xf32>,
        %parallel_loop3A_205 = arith.constant 16 : i32
        %parallel_loop3A_206 = arith.muli %parallel_loop3A_179, %parallel_loop3A_205 : i32
        %parallel_loop3A_207 = arith.constant 2 : i32
        %parallel_loop3A_208 = arith.index_cast %parallel_loop3A_207 : i32 to index
        %parallel_loop3A_209 = arith.index_cast %parallel_loop3A_206 : i32 to index
        %parallel_loop3A_210 = tpu.vector_load %arg11[%parallel_loop3A_208, %parallel_loop3A_209] {strides = array<i32>} : memref<8x1024xf32, #tpu.memory_space<vmem>>, vector<16xf32>,
        tpu.vector_store %arg11[%parallel_loop3A_208, %parallel_loop3A_209], %parallel_loop3A_204 {strides = array<i32>} : memref<8x1024xf32, #tpu.memory_space<vmem>>, vector<16xf32>,
        %parallel_loop3A_211 = arith.constant 3 : i32
        %parallel_loop3A_212 = vector.broadcast %parallel_loop3A_211 : i32 to vector<16xi32>
        %parallel_loop3A_213 = tpu.vector_load_idx %arg7[%parallel_loop3A_212, %parallel_loop3A_183] : memref<8x1024xf32, #tpu.memory_space<vmem>>[vector<16xi32>, vector<16xi32>], vector<16xf32>,
        %parallel_loop3A_214 = arith.constant 16 : i32
        %parallel_loop3A_215 = arith.muli %parallel_loop3A_179, %parallel_loop3A_214 : i32
        %parallel_loop3A_216 = arith.constant 3 : i32
        %parallel_loop3A_217 = arith.index_cast %parallel_loop3A_216 : i32 to index
        %parallel_loop3A_218 = arith.index_cast %parallel_loop3A_215 : i32 to index
        %parallel_loop3A_219 = tpu.vector_load %arg11[%parallel_loop3A_217, %parallel_loop3A_218] {strides = array<i32>} : memref<8x1024xf32, #tpu.memory_space<vmem>>, vector<16xf32>,
        tpu.vector_store %arg11[%parallel_loop3A_217, %parallel_loop3A_218], %parallel_loop3A_213 {strides = array<i32>} : memref<8x1024xf32, #tpu.memory_space<vmem>>, vector<16xf32>,
        %parallel_loop3A_220 = arith.constant 4 : i32
        %parallel_loop3A_221 = vector.broadcast %parallel_loop3A_220 : i32 to vector<16xi32>
        %parallel_loop3A_222 = tpu.vector_load_idx %arg7[%parallel_loop3A_221, %parallel_loop3A_183] : memref<8x1024xf32, #tpu.memory_space<vmem>>[vector<16xi32>, vector<16xi32>], vector<16xf32>,
        %parallel_loop3A_223 = arith.constant 16 : i32
        %parallel_loop3A_224 = arith.muli %parallel_loop3A_179, %parallel_loop3A_223 : i32
        %parallel_loop3A_225 = arith.constant 4 : i32
        %parallel_loop3A_226 = arith.index_cast %parallel_loop3A_225 : i32 to index
        %parallel_loop3A_227 = arith.index_cast %parallel_loop3A_224 : i32 to index
        %parallel_loop3A_228 = tpu.vector_load %arg11[%parallel_loop3A_226, %parallel_loop3A_227] {strides = array<i32>} : memref<8x1024xf32, #tpu.memory_space<vmem>>, vector<16xf32>,
        tpu.vector_store %arg11[%parallel_loop3A_226, %parallel_loop3A_227], %parallel_loop3A_222 {strides = array<i32>} : memref<8x1024xf32, #tpu.memory_space<vmem>>, vector<16xf32>,
        %parallel_loop3A_229 = arith.constant 5 : i32
        %parallel_loop3A_230 = vector.broadcast %parallel_loop3A_229 : i32 to vector<16xi32>
        %parallel_loop3A_231 = tpu.vector_load_idx %arg7[%parallel_loop3A_230, %parallel_loop3A_183] : memref<8x1024xf32, #tpu.memory_space<vmem>>[vector<16xi32>, vector<16xi32>], vector<16xf32>,
        %parallel_loop3A_232 = arith.constant 16 : i32
        %parallel_loop3A_233 = arith.muli %parallel_loop3A_179, %parallel_loop3A_232 : i32
        %parallel_loop3A_234 = arith.constant 5 : i32
        %parallel_loop3A_235 = arith.index_cast %parallel_loop3A_234 : i32 to index
        %parallel_loop3A_236 = arith.index_cast %parallel_loop3A_233 : i32 to index
        %parallel_loop3A_237 = tpu.vector_load %arg11[%parallel_loop3A_235, %parallel_loop3A_236] {strides = array<i32>} : memref<8x1024xf32, #tpu.memory_space<vmem>>, vector<16xf32>,
        tpu.vector_store %arg11[%parallel_loop3A_235, %parallel_loop3A_236], %parallel_loop3A_231 {strides = array<i32>} : memref<8x1024xf32, #tpu.memory_space<vmem>>, vector<16xf32>,
        %parallel_loop3A_238 = arith.constant 6 : i32
        %parallel_loop3A_239 = vector.broadcast %parallel_loop3A_238 : i32 to vector<16xi32>
        %parallel_loop3A_240 = tpu.vector_load_idx %arg7[%parallel_loop3A_239, %parallel_loop3A_183] : memref<8x1024xf32, #tpu.memory_space<vmem>>[vector<16xi32>, vector<16xi32>], vector<16xf32>,
        %parallel_loop3A_241 = arith.constant 16 : i32
        %parallel_loop3A_242 = arith.muli %parallel_loop3A_179, %parallel_loop3A_241 : i32
        %parallel_loop3A_243 = arith.constant 6 : i32
        %parallel_loop3A_244 = arith.index_cast %parallel_loop3A_243 : i32 to index
        %parallel_loop3A_245 = arith.index_cast %parallel_loop3A_242 : i32 to index
        %parallel_loop3A_246 = tpu.vector_load %arg11[%parallel_loop3A_244, %parallel_loop3A_245] {strides = array<i32>} : memref<8x1024xf32, #tpu.memory_space<vmem>>, vector<16xf32>,
        tpu.vector_store %arg11[%parallel_loop3A_244, %parallel_loop3A_245], %parallel_loop3A_240 {strides = array<i32>} : memref<8x1024xf32, #tpu.memory_space<vmem>>, vector<16xf32>,
        %parallel_loop3A_247 = arith.constant 7 : i32
        %parallel_loop3A_248 = vector.broadcast %parallel_loop3A_247 : i32 to vector<16xi32>
        %parallel_loop3A_249 = tpu.vector_load_idx %arg7[%parallel_loop3A_248, %parallel_loop3A_183] : memref<8x1024xf32, #tpu.memory_space<vmem>>[vector<16xi32>, vector<16xi32>], vector<16xf32>,
        %parallel_loop3A_250 = arith.constant 16 : i32
        %parallel_loop3A_251 = arith.muli %parallel_loop3A_179, %parallel_loop3A_250 : i32
        %parallel_loop3A_252 = arith.constant 7 : i32
        %parallel_loop3A_253 = arith.index_cast %parallel_loop3A_252 : i32 to index
        %parallel_loop3A_254 = arith.index_cast %parallel_loop3A_251 : i32 to index
        %parallel_loop3A_255 = tpu.vector_load %arg11[%parallel_loop3A_253, %parallel_loop3A_254] {strides = array<i32>} : memref<8x1024xf32, #tpu.memory_space<vmem>>, vector<16xf32>,
        tpu.vector_store %arg11[%parallel_loop3A_253, %parallel_loop3A_254], %parallel_loop3A_249 {strides = array<i32>} : memref<8x1024xf32, #tpu.memory_space<vmem>>, vector<16xf32>,
      } {sc.loop_unroll_factor = 4 : i64, sc.parallel_access}
      %dma_start3A_108 = arith.constant 0 : i32
      %dma_start3A_109 = tpu.memref_slice %arg4[%mul3A_95, %dma_start3A_108] : memref<8192x1024xf32, #tpu.memory_space<hbm>> -> memref<8x1024xf32, #tpu.memory_space<hbm>>
      %dma_start3A_110 = arith.constant 0 : i32
      %dma_start3A_111 = tpu.memref_slice %arg4[%mul3A_95, %dma_start3A_110] : memref<8192x1024xf32, #tpu.memory_space<hbm>> -> memref<8x1024xf32, #tpu.memory_space<hbm>>
      tpu.enqueue_dma source(%arg11 : memref<8x1024xf32, #tpu.memory_space<vmem>>) target(%dma_start3A_111 : memref<8x1024xf32, #tpu.memory_space<hbm>>) target_semaphore(%arg19 : memref<!tpu.dma_semaphore, #tpu.memory_space<semaphore_mem>>)
      %add3A_112 = arith.constant 4 : i32
      %add3A_113 = arith.addi %add3A_90, %add3A_112 : i32
      %lt3A_114 = arith.constant 32 : i32
      %lt3A_115 = arith.cmpi slt, %add3A_113, %lt3A_114 : i32
      %convert_element_type3A_116 = arith.extui %lt3A_115 : i1 to i32
      %cond3A_117 = arith.constant 0 : i32
      %cond3A_118 = arith.cmpi ne, %convert_element_type3A_116, %cond3A_117 : i32
      scf.if %cond3A_118 {
        %mul3A_179 = arith.constant 32 : i32
        %mul3A_180 = arith.muli %add3A_113, %mul3A_179 : i32
        %add3A_181 = arith.addi %mul3A_180, %add3A : i32
        %mul3A_182 = arith.constant 8 : i32
        %mul3A_183 = arith.muli %add3A_181, %mul3A_182 : i32
        %dma_start3A_184 = arith.constant 0 : i32
        %dma_start3A_185 = tpu.memref_slice %arg2[%mul3A_183, %dma_start3A_184] : memref<8192x1024xf32, #tpu.memory_space<hbm>> -> memref<8x1024xf32, #tpu.memory_space<hbm>>
        %dma_start3A_186 = arith.constant 0 : i32
        %dma_start3A_187 = tpu.memref_slice %arg2[%mul3A_183, %dma_start3A_186] : memref<8192x1024xf32, #tpu.memory_space<hbm>> -> memref<8x1024xf32, #tpu.memory_space<hbm>>
        tpu.enqueue_dma source(%dma_start3A_187 : memref<8x1024xf32, #tpu.memory_space<hbm>>) target(%arg7 : memref<8x1024xf32, #tpu.memory_space<vmem>>) target_semaphore(%arg15 : memref<!tpu.dma_semaphore, #tpu.memory_space<semaphore_mem>>)
      } else {
      }
      %add3A_119 = arith.constant 2 : i32
      %add3A_120 = arith.addi %add3A_63, %add3A_119 : i32
      %mul3A_121 = arith.constant 32 : i32
      %mul3A_122 = arith.muli %add3A_120, %mul3A_121 : i32
      %add3A_123 = arith.addi %mul3A_122, %add3A : i32
      %mul3A_124 = arith.constant 8 : i32
      %mul3A_125 = arith.muli %add3A_123, %mul3A_124 : i32
      %dma_wait3A_126 = arith.constant 0 : i32
      %dma_wait3A_127 = tpu.memref_slice %arg2[%mul3A_125, %dma_wait3A_126] : memref<8192x1024xf32, #tpu.memory_space<hbm>> -> memref<8x1024xf32, #tpu.memory_space<hbm>>
      %dma_wait3A_128 = arith.constant 0 : i32
      %dma_wait3A_129 = tpu.memref_slice %arg2[%mul3A_125, %dma_wait3A_128] : memref<8192x1024xf32, #tpu.memory_space<hbm>> -> memref<8x1024xf32, #tpu.memory_space<hbm>>
      tpu.wait_dma2 semaphore(%arg16 : memref<!tpu.dma_semaphore, #tpu.memory_space<semaphore_mem>>) src(%dma_wait3A_129 : memref<8x1024xf32, #tpu.memory_space<hbm>>) dst(%arg8 : memref<8x1024xf32, #tpu.memory_space<vmem>>)
      %ge3A_130 = arith.constant 4 : i32
      %ge3A_131 = arith.cmpi sge, %add3A_120, %ge3A_130 : i32
      %convert_element_type3A_132 = arith.extui %ge3A_131 : i1 to i32
      %cond3A_133 = arith.constant 0 : i32
      %cond3A_134 = arith.cmpi ne, %convert_element_type3A_132, %cond3A_133 : i32
      scf.if %cond3A_134 {
        %dma_wait3A_179 = arith.constant 0 : i32
        %dma_wait3A_180 = tpu.memref_slice %arg4[%mul3A_125, %dma_wait3A_179] : memref<8192x1024xf32, #tpu.memory_space<hbm>> -> memref<8x1024xf32, #tpu.memory_space<hbm>>
        %dma_wait3A_181 = arith.constant 0 : i32
        %dma_wait3A_182 = tpu.memref_slice %arg4[%mul3A_125, %dma_wait3A_181] : memref<8192x1024xf32, #tpu.memory_space<hbm>> -> memref<8x1024xf32, #tpu.memory_space<hbm>>
        tpu.wait_dma2 semaphore(%arg20 : memref<!tpu.dma_semaphore, #tpu.memory_space<semaphore_mem>>) src(%arg12 : memref<8x1024xf32, #tpu.memory_space<vmem>>) dst(%dma_wait3A_182 : memref<8x1024xf32, #tpu.memory_space<hbm>>)
      } else {
      }
      %parallel_loop3A_135 = arith.constant 0 : i32
      %parallel_loop3A_136 = arith.constant 64 : i32
      %parallel_loop3A_137 = arith.constant 1 : i32
      scf.for %parallel_loop3A_179 = %parallel_loop3A_135 to %parallel_loop3A_136 step %parallel_loop3A_137  : i32 {
        %parallel_loop3A_180 = arith.constant 16 : i32
        %parallel_loop3A_181 = arith.muli %parallel_loop3A_179, %parallel_loop3A_180 : i32
        %parallel_loop3A_182 = arith.index_cast %parallel_loop3A_181 : i32 to index
        %parallel_loop3A_183 = tpu.vector_load %arg5[%parallel_loop3A_182] {strides = array<i32>} : memref<1024xi32, #tpu.memory_space<vmem>>, vector<16xi32>,
        %parallel_loop3A_184 = arith.constant 0 : i32
        %parallel_loop3A_185 = vector.broadcast %parallel_loop3A_184 : i32 to vector<16xi32>
        %parallel_loop3A_186 = tpu.vector_load_idx %arg8[%parallel_loop3A_185, %parallel_loop3A_183] : memref<8x1024xf32, #tpu.memory_space<vmem>>[vector<16xi32>, vector<16xi32>], vector<16xf32>,
        %parallel_loop3A_187 = arith.constant 16 : i32
        %parallel_loop3A_188 = arith.muli %parallel_loop3A_179, %parallel_loop3A_187 : i32
        %parallel_loop3A_189 = arith.constant 0 : i32
        %parallel_loop3A_190 = arith.index_cast %parallel_loop3A_189 : i32 to index
        %parallel_loop3A_191 = arith.index_cast %parallel_loop3A_188 : i32 to index
        %parallel_loop3A_192 = tpu.vector_load %arg12[%parallel_loop3A_190, %parallel_loop3A_191] {strides = array<i32>} : memref<8x1024xf32, #tpu.memory_space<vmem>>, vector<16xf32>,
        tpu.vector_store %arg12[%parallel_loop3A_190, %parallel_loop3A_191], %parallel_loop3A_186 {strides = array<i32>} : memref<8x1024xf32, #tpu.memory_space<vmem>>, vector<16xf32>,
        %parallel_loop3A_193 = arith.constant 1 : i32
        %parallel_loop3A_194 = vector.broadcast %parallel_loop3A_193 : i32 to vector<16xi32>
        %parallel_loop3A_195 = tpu.vector_load_idx %arg8[%parallel_loop3A_194, %parallel_loop3A_183] : memref<8x1024xf32, #tpu.memory_space<vmem>>[vector<16xi32>, vector<16xi32>], vector<16xf32>,
        %parallel_loop3A_196 = arith.constant 16 : i32
        %parallel_loop3A_197 = arith.muli %parallel_loop3A_179, %parallel_loop3A_196 : i32
        %parallel_loop3A_198 = arith.constant 1 : i32
        %parallel_loop3A_199 = arith.index_cast %parallel_loop3A_198 : i32 to index
        %parallel_loop3A_200 = arith.index_cast %parallel_loop3A_197 : i32 to index
        %parallel_loop3A_201 = tpu.vector_load %arg12[%parallel_loop3A_199, %parallel_loop3A_200] {strides = array<i32>} : memref<8x1024xf32, #tpu.memory_space<vmem>>, vector<16xf32>,
        tpu.vector_store %arg12[%parallel_loop3A_199, %parallel_loop3A_200], %parallel_loop3A_195 {strides = array<i32>} : memref<8x1024xf32, #tpu.memory_space<vmem>>, vector<16xf32>,
        %parallel_loop3A_202 = arith.constant 2 : i32
        %parallel_loop3A_203 = vector.broadcast %parallel_loop3A_202 : i32 to vector<16xi32>
        %parallel_loop3A_204 = tpu.vector_load_idx %arg8[%parallel_loop3A_203, %parallel_loop3A_183] : memref<8x1024xf32, #tpu.memory_space<vmem>>[vector<16xi32>, vector<16xi32>], vector<16xf32>,
        %parallel_loop3A_205 = arith.constant 16 : i32
        %parallel_loop3A_206 = arith.muli %parallel_loop3A_179, %parallel_loop3A_205 : i32
        %parallel_loop3A_207 = arith.constant 2 : i32
        %parallel_loop3A_208 = arith.index_cast %parallel_loop3A_207 : i32 to index
        %parallel_loop3A_209 = arith.index_cast %parallel_loop3A_206 : i32 to index
        %parallel_loop3A_210 = tpu.vector_load %arg12[%parallel_loop3A_208, %parallel_loop3A_209] {strides = array<i32>} : memref<8x1024xf32, #tpu.memory_space<vmem>>, vector<16xf32>,
        tpu.vector_store %arg12[%parallel_loop3A_208, %parallel_loop3A_209], %parallel_loop3A_204 {strides = array<i32>} : memref<8x1024xf32, #tpu.memory_space<vmem>>, vector<16xf32>,
        %parallel_loop3A_211 = arith.constant 3 : i32
        %parallel_loop3A_212 = vector.broadcast %parallel_loop3A_211 : i32 to vector<16xi32>
        %parallel_loop3A_213 = tpu.vector_load_idx %arg8[%parallel_loop3A_212, %parallel_loop3A_183] : memref<8x1024xf32, #tpu.memory_space<vmem>>[vector<16xi32>, vector<16xi32>], vector<16xf32>,
        %parallel_loop3A_214 = arith.constant 16 : i32
        %parallel_loop3A_215 = arith.muli %parallel_loop3A_179, %parallel_loop3A_214 : i32
        %parallel_loop3A_216 = arith.constant 3 : i32
        %parallel_loop3A_217 = arith.index_cast %parallel_loop3A_216 : i32 to index
        %parallel_loop3A_218 = arith.index_cast %parallel_loop3A_215 : i32 to index
        %parallel_loop3A_219 = tpu.vector_load %arg12[%parallel_loop3A_217, %parallel_loop3A_218] {strides = array<i32>} : memref<8x1024xf32, #tpu.memory_space<vmem>>, vector<16xf32>,
        tpu.vector_store %arg12[%parallel_loop3A_217, %parallel_loop3A_218], %parallel_loop3A_213 {strides = array<i32>} : memref<8x1024xf32, #tpu.memory_space<vmem>>, vector<16xf32>,
        %parallel_loop3A_220 = arith.constant 4 : i32
        %parallel_loop3A_221 = vector.broadcast %parallel_loop3A_220 : i32 to vector<16xi32>
        %parallel_loop3A_222 = tpu.vector_load_idx %arg8[%parallel_loop3A_221, %parallel_loop3A_183] : memref<8x1024xf32, #tpu.memory_space<vmem>>[vector<16xi32>, vector<16xi32>], vector<16xf32>,
        %parallel_loop3A_223 = arith.constant 16 : i32
        %parallel_loop3A_224 = arith.muli %parallel_loop3A_179, %parallel_loop3A_223 : i32
        %parallel_loop3A_225 = arith.constant 4 : i32
        %parallel_loop3A_226 = arith.index_cast %parallel_loop3A_225 : i32 to index
        %parallel_loop3A_227 = arith.index_cast %parallel_loop3A_224 : i32 to index
        %parallel_loop3A_228 = tpu.vector_load %arg12[%parallel_loop3A_226, %parallel_loop3A_227] {strides = array<i32>} : memref<8x1024xf32, #tpu.memory_space<vmem>>, vector<16xf32>,
        tpu.vector_store %arg12[%parallel_loop3A_226, %parallel_loop3A_227], %parallel_loop3A_222 {strides = array<i32>} : memref<8x1024xf32, #tpu.memory_space<vmem>>, vector<16xf32>,
        %parallel_loop3A_229 = arith.constant 5 : i32
        %parallel_loop3A_230 = vector.broadcast %parallel_loop3A_229 : i32 to vector<16xi32>
        %parallel_loop3A_231 = tpu.vector_load_idx %arg8[%parallel_loop3A_230, %parallel_loop3A_183] : memref<8x1024xf32, #tpu.memory_space<vmem>>[vector<16xi32>, vector<16xi32>], vector<16xf32>,
        %parallel_loop3A_232 = arith.constant 16 : i32
        %parallel_loop3A_233 = arith.muli %parallel_loop3A_179, %parallel_loop3A_232 : i32
        %parallel_loop3A_234 = arith.constant 5 : i32
        %parallel_loop3A_235 = arith.index_cast %parallel_loop3A_234 : i32 to index
        %parallel_loop3A_236 = arith.index_cast %parallel_loop3A_233 : i32 to index
        %parallel_loop3A_237 = tpu.vector_load %arg12[%parallel_loop3A_235, %parallel_loop3A_236] {strides = array<i32>} : memref<8x1024xf32, #tpu.memory_space<vmem>>, vector<16xf32>,
        tpu.vector_store %arg12[%parallel_loop3A_235, %parallel_loop3A_236], %parallel_loop3A_231 {strides = array<i32>} : memref<8x1024xf32, #tpu.memory_space<vmem>>, vector<16xf32>,
        %parallel_loop3A_238 = arith.constant 6 : i32
        %parallel_loop3A_239 = vector.broadcast %parallel_loop3A_238 : i32 to vector<16xi32>
        %parallel_loop3A_240 = tpu.vector_load_idx %arg8[%parallel_loop3A_239, %parallel_loop3A_183] : memref<8x1024xf32, #tpu.memory_space<vmem>>[vector<16xi32>, vector<16xi32>], vector<16xf32>,
        %parallel_loop3A_241 = arith.constant 16 : i32
        %parallel_loop3A_242 = arith.muli %parallel_loop3A_179, %parallel_loop3A_241 : i32
        %parallel_loop3A_243 = arith.constant 6 : i32
        %parallel_loop3A_244 = arith.index_cast %parallel_loop3A_243 : i32 to index
        %parallel_loop3A_245 = arith.index_cast %parallel_loop3A_242 : i32 to index
        %parallel_loop3A_246 = tpu.vector_load %arg12[%parallel_loop3A_244, %parallel_loop3A_245] {strides = array<i32>} : memref<8x1024xf32, #tpu.memory_space<vmem>>, vector<16xf32>,
        tpu.vector_store %arg12[%parallel_loop3A_244, %parallel_loop3A_245], %parallel_loop3A_240 {strides = array<i32>} : memref<8x1024xf32, #tpu.memory_space<vmem>>, vector<16xf32>,
        %parallel_loop3A_247 = arith.constant 7 : i32
        %parallel_loop3A_248 = vector.broadcast %parallel_loop3A_247 : i32 to vector<16xi32>
        %parallel_loop3A_249 = tpu.vector_load_idx %arg8[%parallel_loop3A_248, %parallel_loop3A_183] : memref<8x1024xf32, #tpu.memory_space<vmem>>[vector<16xi32>, vector<16xi32>], vector<16xf32>,
        %parallel_loop3A_250 = arith.constant 16 : i32
        %parallel_loop3A_251 = arith.muli %parallel_loop3A_179, %parallel_loop3A_250 : i32
        %parallel_loop3A_252 = arith.constant 7 : i32
        %parallel_loop3A_253 = arith.index_cast %parallel_loop3A_252 : i32 to index
        %parallel_loop3A_254 = arith.index_cast %parallel_loop3A_251 : i32 to index
        %parallel_loop3A_255 = tpu.vector_load %arg12[%parallel_loop3A_253, %parallel_loop3A_254] {strides = array<i32>} : memref<8x1024xf32, #tpu.memory_space<vmem>>, vector<16xf32>,
        tpu.vector_store %arg12[%parallel_loop3A_253, %parallel_loop3A_254], %parallel_loop3A_249 {strides = array<i32>} : memref<8x1024xf32, #tpu.memory_space<vmem>>, vector<16xf32>,
      } {sc.loop_unroll_factor = 4 : i64, sc.parallel_access}
      %dma_start3A_138 = arith.constant 0 : i32
      %dma_start3A_139 = tpu.memref_slice %arg4[%mul3A_125, %dma_start3A_138] : memref<8192x1024xf32, #tpu.memory_space<hbm>> -> memref<8x1024xf32, #tpu.memory_space<hbm>>
      %dma_start3A_140 = arith.constant 0 : i32
      %dma_start3A_141 = tpu.memref_slice %arg4[%mul3A_125, %dma_start3A_140] : memref<8192x1024xf32, #tpu.memory_space<hbm>> -> memref<8x1024xf32, #tpu.memory_space<hbm>>
      tpu.enqueue_dma source(%arg12 : memref<8x1024xf32, #tpu.memory_space<vmem>>) target(%dma_start3A_141 : memref<8x1024xf32, #tpu.memory_space<hbm>>) target_semaphore(%arg20 : memref<!tpu.dma_semaphore, #tpu.memory_space<semaphore_mem>>)
      %add3A_142 = arith.constant 4 : i32
      %add3A_143 = arith.addi %add3A_120, %add3A_142 : i32
      %lt3A_144 = arith.constant 32 : i32
      %lt3A_145 = arith.cmpi slt, %add3A_143, %lt3A_144 : i32
      %convert_element_type3A_146 = arith.extui %lt3A_145 : i1 to i32
      %cond3A_147 = arith.constant 0 : i32
      %cond3A_148 = arith.cmpi ne, %convert_element_type3A_146, %cond3A_147 : i32
      scf.if %cond3A_148 {
        %mul3A_179 = arith.constant 32 : i32
        %mul3A_180 = arith.muli %add3A_143, %mul3A_179 : i32
        %add3A_181 = arith.addi %mul3A_180, %add3A : i32
        %mul3A_182 = arith.constant 8 : i32
        %mul3A_183 = arith.muli %add3A_181, %mul3A_182 : i32
        %dma_start3A_184 = arith.constant 0 : i32
        %dma_start3A_185 = tpu.memref_slice %arg2[%mul3A_183, %dma_start3A_184] : memref<8192x1024xf32, #tpu.memory_space<hbm>> -> memref<8x1024xf32, #tpu.memory_space<hbm>>
        %dma_start3A_186 = arith.constant 0 : i32
        %dma_start3A_187 = tpu.memref_slice %arg2[%mul3A_183, %dma_start3A_186] : memref<8192x1024xf32, #tpu.memory_space<hbm>> -> memref<8x1024xf32, #tpu.memory_space<hbm>>
        tpu.enqueue_dma source(%dma_start3A_187 : memref<8x1024xf32, #tpu.memory_space<hbm>>) target(%arg8 : memref<8x1024xf32, #tpu.memory_space<vmem>>) target_semaphore(%arg16 : memref<!tpu.dma_semaphore, #tpu.memory_space<semaphore_mem>>)
      } else {
      }
      %add3A_149 = arith.constant 3 : i32
      %add3A_150 = arith.addi %add3A_63, %add3A_149 : i32
      %mul3A_151 = arith.constant 32 : i32
      %mul3A_152 = arith.muli %add3A_150, %mul3A_151 : i32
      %add3A_153 = arith.addi %mul3A_152, %add3A : i32
      %mul3A_154 = arith.constant 8 : i32
      %mul3A_155 = arith.muli %add3A_153, %mul3A_154 : i32
      %dma_wait3A_156 = arith.constant 0 : i32
      %dma_wait3A_157 = tpu.memref_slice %arg2[%mul3A_155, %dma_wait3A_156] : memref<8192x1024xf32, #tpu.memory_space<hbm>> -> memref<8x1024xf32, #tpu.memory_space<hbm>>
      %dma_wait3A_158 = arith.constant 0 : i32
      %dma_wait3A_159 = tpu.memref_slice %arg2[%mul3A_155, %dma_wait3A_158] : memref<8192x1024xf32, #tpu.memory_space<hbm>> -> memref<8x1024xf32, #tpu.memory_space<hbm>>
      tpu.wait_dma2 semaphore(%arg17 : memref<!tpu.dma_semaphore, #tpu.memory_space<semaphore_mem>>) src(%dma_wait3A_159 : memref<8x1024xf32, #tpu.memory_space<hbm>>) dst(%arg9 : memref<8x1024xf32, #tpu.memory_space<vmem>>)
      %ge3A_160 = arith.constant 4 : i32
      %ge3A_161 = arith.cmpi sge, %add3A_150, %ge3A_160 : i32
      %convert_element_type3A_162 = arith.extui %ge3A_161 : i1 to i32
      %cond3A_163 = arith.constant 0 : i32
      %cond3A_164 = arith.cmpi ne, %convert_element_type3A_162, %cond3A_163 : i32
      scf.if %cond3A_164 {
        %dma_wait3A_179 = arith.constant 0 : i32
        %dma_wait3A_180 = tpu.memref_slice %arg4[%mul3A_155, %dma_wait3A_179] : memref<8192x1024xf32, #tpu.memory_space<hbm>> -> memref<8x1024xf32, #tpu.memory_space<hbm>>
        %dma_wait3A_181 = arith.constant 0 : i32
        %dma_wait3A_182 = tpu.memref_slice %arg4[%mul3A_155, %dma_wait3A_181] : memref<8192x1024xf32, #tpu.memory_space<hbm>> -> memref<8x1024xf32, #tpu.memory_space<hbm>>
        tpu.wait_dma2 semaphore(%arg21 : memref<!tpu.dma_semaphore, #tpu.memory_space<semaphore_mem>>) src(%arg13 : memref<8x1024xf32, #tpu.memory_space<vmem>>) dst(%dma_wait3A_182 : memref<8x1024xf32, #tpu.memory_space<hbm>>)
      } else {
      }
      %parallel_loop3A_165 = arith.constant 0 : i32
      %parallel_loop3A_166 = arith.constant 64 : i32
      %parallel_loop3A_167 = arith.constant 1 : i32
      scf.for %parallel_loop3A_179 = %parallel_loop3A_165 to %parallel_loop3A_166 step %parallel_loop3A_167  : i32 {
        %parallel_loop3A_180 = arith.constant 16 : i32
        %parallel_loop3A_181 = arith.muli %parallel_loop3A_179, %parallel_loop3A_180 : i32
        %parallel_loop3A_182 = arith.index_cast %parallel_loop3A_181 : i32 to index
        %parallel_loop3A_183 = tpu.vector_load %arg5[%parallel_loop3A_182] {strides = array<i32>} : memref<1024xi32, #tpu.memory_space<vmem>>, vector<16xi32>,
        %parallel_loop3A_184 = arith.constant 0 : i32
        %parallel_loop3A_185 = vector.broadcast %parallel_loop3A_184 : i32 to vector<16xi32>
        %parallel_loop3A_186 = tpu.vector_load_idx %arg9[%parallel_loop3A_185, %parallel_loop3A_183] : memref<8x1024xf32, #tpu.memory_space<vmem>>[vector<16xi32>, vector<16xi32>], vector<16xf32>,
        %parallel_loop3A_187 = arith.constant 16 : i32
        %parallel_loop3A_188 = arith.muli %parallel_loop3A_179, %parallel_loop3A_187 : i32
        %parallel_loop3A_189 = arith.constant 0 : i32
        %parallel_loop3A_190 = arith.index_cast %parallel_loop3A_189 : i32 to index
        %parallel_loop3A_191 = arith.index_cast %parallel_loop3A_188 : i32 to index
        %parallel_loop3A_192 = tpu.vector_load %arg13[%parallel_loop3A_190, %parallel_loop3A_191] {strides = array<i32>} : memref<8x1024xf32, #tpu.memory_space<vmem>>, vector<16xf32>,
        tpu.vector_store %arg13[%parallel_loop3A_190, %parallel_loop3A_191], %parallel_loop3A_186 {strides = array<i32>} : memref<8x1024xf32, #tpu.memory_space<vmem>>, vector<16xf32>,
        %parallel_loop3A_193 = arith.constant 1 : i32
        %parallel_loop3A_194 = vector.broadcast %parallel_loop3A_193 : i32 to vector<16xi32>
        %parallel_loop3A_195 = tpu.vector_load_idx %arg9[%parallel_loop3A_194, %parallel_loop3A_183] : memref<8x1024xf32, #tpu.memory_space<vmem>>[vector<16xi32>, vector<16xi32>], vector<16xf32>,
        %parallel_loop3A_196 = arith.constant 16 : i32
        %parallel_loop3A_197 = arith.muli %parallel_loop3A_179, %parallel_loop3A_196 : i32
        %parallel_loop3A_198 = arith.constant 1 : i32
        %parallel_loop3A_199 = arith.index_cast %parallel_loop3A_198 : i32 to index
        %parallel_loop3A_200 = arith.index_cast %parallel_loop3A_197 : i32 to index
        %parallel_loop3A_201 = tpu.vector_load %arg13[%parallel_loop3A_199, %parallel_loop3A_200] {strides = array<i32>} : memref<8x1024xf32, #tpu.memory_space<vmem>>, vector<16xf32>,
        tpu.vector_store %arg13[%parallel_loop3A_199, %parallel_loop3A_200], %parallel_loop3A_195 {strides = array<i32>} : memref<8x1024xf32, #tpu.memory_space<vmem>>, vector<16xf32>,
        %parallel_loop3A_202 = arith.constant 2 : i32
        %parallel_loop3A_203 = vector.broadcast %parallel_loop3A_202 : i32 to vector<16xi32>
        %parallel_loop3A_204 = tpu.vector_load_idx %arg9[%parallel_loop3A_203, %parallel_loop3A_183] : memref<8x1024xf32, #tpu.memory_space<vmem>>[vector<16xi32>, vector<16xi32>], vector<16xf32>,
        %parallel_loop3A_205 = arith.constant 16 : i32
        %parallel_loop3A_206 = arith.muli %parallel_loop3A_179, %parallel_loop3A_205 : i32
        %parallel_loop3A_207 = arith.constant 2 : i32
        %parallel_loop3A_208 = arith.index_cast %parallel_loop3A_207 : i32 to index
        %parallel_loop3A_209 = arith.index_cast %parallel_loop3A_206 : i32 to index
        %parallel_loop3A_210 = tpu.vector_load %arg13[%parallel_loop3A_208, %parallel_loop3A_209] {strides = array<i32>} : memref<8x1024xf32, #tpu.memory_space<vmem>>, vector<16xf32>,
        tpu.vector_store %arg13[%parallel_loop3A_208, %parallel_loop3A_209], %parallel_loop3A_204 {strides = array<i32>} : memref<8x1024xf32, #tpu.memory_space<vmem>>, vector<16xf32>,
        %parallel_loop3A_211 = arith.constant 3 : i32
        %parallel_loop3A_212 = vector.broadcast %parallel_loop3A_211 : i32 to vector<16xi32>
        %parallel_loop3A_213 = tpu.vector_load_idx %arg9[%parallel_loop3A_212, %parallel_loop3A_183] : memref<8x1024xf32, #tpu.memory_space<vmem>>[vector<16xi32>, vector<16xi32>], vector<16xf32>,
        %parallel_loop3A_214 = arith.constant 16 : i32
        %parallel_loop3A_215 = arith.muli %parallel_loop3A_179, %parallel_loop3A_214 : i32
        %parallel_loop3A_216 = arith.constant 3 : i32
        %parallel_loop3A_217 = arith.index_cast %parallel_loop3A_216 : i32 to index
        %parallel_loop3A_218 = arith.index_cast %parallel_loop3A_215 : i32 to index
        %parallel_loop3A_219 = tpu.vector_load %arg13[%parallel_loop3A_217, %parallel_loop3A_218] {strides = array<i32>} : memref<8x1024xf32, #tpu.memory_space<vmem>>, vector<16xf32>,
        tpu.vector_store %arg13[%parallel_loop3A_217, %parallel_loop3A_218], %parallel_loop3A_213 {strides = array<i32>} : memref<8x1024xf32, #tpu.memory_space<vmem>>, vector<16xf32>,
        %parallel_loop3A_220 = arith.constant 4 : i32
        %parallel_loop3A_221 = vector.broadcast %parallel_loop3A_220 : i32 to vector<16xi32>
        %parallel_loop3A_222 = tpu.vector_load_idx %arg9[%parallel_loop3A_221, %parallel_loop3A_183] : memref<8x1024xf32, #tpu.memory_space<vmem>>[vector<16xi32>, vector<16xi32>], vector<16xf32>,
        %parallel_loop3A_223 = arith.constant 16 : i32
        %parallel_loop3A_224 = arith.muli %parallel_loop3A_179, %parallel_loop3A_223 : i32
        %parallel_loop3A_225 = arith.constant 4 : i32
        %parallel_loop3A_226 = arith.index_cast %parallel_loop3A_225 : i32 to index
        %parallel_loop3A_227 = arith.index_cast %parallel_loop3A_224 : i32 to index
        %parallel_loop3A_228 = tpu.vector_load %arg13[%parallel_loop3A_226, %parallel_loop3A_227] {strides = array<i32>} : memref<8x1024xf32, #tpu.memory_space<vmem>>, vector<16xf32>,
        tpu.vector_store %arg13[%parallel_loop3A_226, %parallel_loop3A_227], %parallel_loop3A_222 {strides = array<i32>} : memref<8x1024xf32, #tpu.memory_space<vmem>>, vector<16xf32>,
        %parallel_loop3A_229 = arith.constant 5 : i32
        %parallel_loop3A_230 = vector.broadcast %parallel_loop3A_229 : i32 to vector<16xi32>
        %parallel_loop3A_231 = tpu.vector_load_idx %arg9[%parallel_loop3A_230, %parallel_loop3A_183] : memref<8x1024xf32, #tpu.memory_space<vmem>>[vector<16xi32>, vector<16xi32>], vector<16xf32>,
        %parallel_loop3A_232 = arith.constant 16 : i32
        %parallel_loop3A_233 = arith.muli %parallel_loop3A_179, %parallel_loop3A_232 : i32
        %parallel_loop3A_234 = arith.constant 5 : i32
        %parallel_loop3A_235 = arith.index_cast %parallel_loop3A_234 : i32 to index
        %parallel_loop3A_236 = arith.index_cast %parallel_loop3A_233 : i32 to index
        %parallel_loop3A_237 = tpu.vector_load %arg13[%parallel_loop3A_235, %parallel_loop3A_236] {strides = array<i32>} : memref<8x1024xf32, #tpu.memory_space<vmem>>, vector<16xf32>,
        tpu.vector_store %arg13[%parallel_loop3A_235, %parallel_loop3A_236], %parallel_loop3A_231 {strides = array<i32>} : memref<8x1024xf32, #tpu.memory_space<vmem>>, vector<16xf32>,
        %parallel_loop3A_238 = arith.constant 6 : i32
        %parallel_loop3A_239 = vector.broadcast %parallel_loop3A_238 : i32 to vector<16xi32>
        %parallel_loop3A_240 = tpu.vector_load_idx %arg9[%parallel_loop3A_239, %parallel_loop3A_183] : memref<8x1024xf32, #tpu.memory_space<vmem>>[vector<16xi32>, vector<16xi32>], vector<16xf32>,
        %parallel_loop3A_241 = arith.constant 16 : i32
        %parallel_loop3A_242 = arith.muli %parallel_loop3A_179, %parallel_loop3A_241 : i32
        %parallel_loop3A_243 = arith.constant 6 : i32
        %parallel_loop3A_244 = arith.index_cast %parallel_loop3A_243 : i32 to index
        %parallel_loop3A_245 = arith.index_cast %parallel_loop3A_242 : i32 to index
        %parallel_loop3A_246 = tpu.vector_load %arg13[%parallel_loop3A_244, %parallel_loop3A_245] {strides = array<i32>} : memref<8x1024xf32, #tpu.memory_space<vmem>>, vector<16xf32>,
        tpu.vector_store %arg13[%parallel_loop3A_244, %parallel_loop3A_245], %parallel_loop3A_240 {strides = array<i32>} : memref<8x1024xf32, #tpu.memory_space<vmem>>, vector<16xf32>,
        %parallel_loop3A_247 = arith.constant 7 : i32
        %parallel_loop3A_248 = vector.broadcast %parallel_loop3A_247 : i32 to vector<16xi32>
        %parallel_loop3A_249 = tpu.vector_load_idx %arg9[%parallel_loop3A_248, %parallel_loop3A_183] : memref<8x1024xf32, #tpu.memory_space<vmem>>[vector<16xi32>, vector<16xi32>], vector<16xf32>,
        %parallel_loop3A_250 = arith.constant 16 : i32
        %parallel_loop3A_251 = arith.muli %parallel_loop3A_179, %parallel_loop3A_250 : i32
        %parallel_loop3A_252 = arith.constant 7 : i32
        %parallel_loop3A_253 = arith.index_cast %parallel_loop3A_252 : i32 to index
        %parallel_loop3A_254 = arith.index_cast %parallel_loop3A_251 : i32 to index
        %parallel_loop3A_255 = tpu.vector_load %arg13[%parallel_loop3A_253, %parallel_loop3A_254] {strides = array<i32>} : memref<8x1024xf32, #tpu.memory_space<vmem>>, vector<16xf32>,
        tpu.vector_store %arg13[%parallel_loop3A_253, %parallel_loop3A_254], %parallel_loop3A_249 {strides = array<i32>} : memref<8x1024xf32, #tpu.memory_space<vmem>>, vector<16xf32>,
      } {sc.loop_unroll_factor = 4 : i64, sc.parallel_access}
      %dma_start3A_168 = arith.constant 0 : i32
      %dma_start3A_169 = tpu.memref_slice %arg4[%mul3A_155, %dma_start3A_168] : memref<8192x1024xf32, #tpu.memory_space<hbm>> -> memref<8x1024xf32, #tpu.memory_space<hbm>>
      %dma_start3A_170 = arith.constant 0 : i32
      %dma_start3A_171 = tpu.memref_slice %arg4[%mul3A_155, %dma_start3A_170] : memref<8192x1024xf32, #tpu.memory_space<hbm>> -> memref<8x1024xf32, #tpu.memory_space<hbm>>
      tpu.enqueue_dma source(%arg13 : memref<8x1024xf32, #tpu.memory_space<vmem>>) target(%dma_start3A_171 : memref<8x1024xf32, #tpu.memory_space<hbm>>) target_semaphore(%arg21 : memref<!tpu.dma_semaphore, #tpu.memory_space<semaphore_mem>>)
      %add3A_172 = arith.constant 4 : i32
      %add3A_173 = arith.addi %add3A_150, %add3A_172 : i32
      %lt3A_174 = arith.constant 32 : i32
      %lt3A_175 = arith.cmpi slt, %add3A_173, %lt3A_174 : i32
      %convert_element_type3A_176 = arith.extui %lt3A_175 : i1 to i32
      %cond3A_177 = arith.constant 0 : i32
      %cond3A_178 = arith.cmpi ne, %convert_element_type3A_176, %cond3A_177 : i32
      scf.if %cond3A_178 {
        %mul3A_179 = arith.constant 32 : i32
        %mul3A_180 = arith.muli %add3A_173, %mul3A_179 : i32
        %add3A_181 = arith.addi %mul3A_180, %add3A : i32
        %mul3A_182 = arith.constant 8 : i32
        %mul3A_183 = arith.muli %add3A_181, %mul3A_182 : i32
        %dma_start3A_184 = arith.constant 0 : i32
        %dma_start3A_185 = tpu.memref_slice %arg2[%mul3A_183, %dma_start3A_184] : memref<8192x1024xf32, #tpu.memory_space<hbm>> -> memref<8x1024xf32, #tpu.memory_space<hbm>>
        %dma_start3A_186 = arith.constant 0 : i32
        %dma_start3A_187 = tpu.memref_slice %arg2[%mul3A_183, %dma_start3A_186] : memref<8192x1024xf32, #tpu.memory_space<hbm>> -> memref<8x1024xf32, #tpu.memory_space<hbm>>
        tpu.enqueue_dma source(%dma_start3A_187 : memref<8x1024xf32, #tpu.memory_space<hbm>>) target(%arg9 : memref<8x1024xf32, #tpu.memory_space<vmem>>) target_semaphore(%arg17 : memref<!tpu.dma_semaphore, #tpu.memory_space<semaphore_mem>>)
      } else {
      }
    }
    %scan3A_35 = arith.constant 8 : i32
    %mul3A_36 = arith.constant 8 : i32
    %mul3A_37 = arith.muli %add3A, %mul3A_36 : i32
    %dma_wait3A = arith.constant 0 : i32
    %dma_wait3A_38 = tpu.memref_slice %arg4[%mul3A_37, %dma_wait3A] : memref<8192x1024xf32, #tpu.memory_space<hbm>> -> memref<8x1024xf32, #tpu.memory_space<hbm>>
    %dma_wait3A_39 = arith.constant 0 : i32
    %dma_wait3A_40 = tpu.memref_slice %arg4[%mul3A_37, %dma_wait3A_39] : memref<8192x1024xf32, #tpu.memory_space<hbm>> -> memref<8x1024xf32, #tpu.memory_space<hbm>>
    tpu.wait_dma2 semaphore(%arg18 : memref<!tpu.dma_semaphore, #tpu.memory_space<semaphore_mem>>) src(%arg10 : memref<8x1024xf32, #tpu.memory_space<vmem>>) dst(%dma_wait3A_40 : memref<8x1024xf32, #tpu.memory_space<hbm>>)
    %mul3A_41 = arith.constant 8 : i32
    %mul3A_42 = arith.muli %add3A, %mul3A_41 : i32
    %dma_wait3A_43 = arith.constant 0 : i32
    %dma_wait3A_44 = tpu.memref_slice %arg4[%mul3A_42, %dma_wait3A_43] : memref<8192x1024xf32, #tpu.memory_space<hbm>> -> memref<8x1024xf32, #tpu.memory_space<hbm>>
    %dma_wait3A_45 = arith.constant 0 : i32
    %dma_wait3A_46 = tpu.memref_slice %arg4[%mul3A_42, %dma_wait3A_45] : memref<8192x1024xf32, #tpu.memory_space<hbm>> -> memref<8x1024xf32, #tpu.memory_space<hbm>>
    tpu.wait_dma2 semaphore(%arg19 : memref<!tpu.dma_semaphore, #tpu.memory_space<semaphore_mem>>) src(%arg11 : memref<8x1024xf32, #tpu.memory_space<vmem>>) dst(%dma_wait3A_46 : memref<8x1024xf32, #tpu.memory_space<hbm>>)
    %mul3A_47 = arith.constant 8 : i32
    %mul3A_48 = arith.muli %add3A, %mul3A_47 : i32
    %dma_wait3A_49 = arith.constant 0 : i32
    %dma_wait3A_50 = tpu.memref_slice %arg4[%mul3A_48, %dma_wait3A_49] : memref<8192x1024xf32, #tpu.memory_space<hbm>> -> memref<8x1024xf32, #tpu.memory_space<hbm>>
    %dma_wait3A_51 = arith.constant 0 : i32
    %dma_wait3A_52 = tpu.memref_slice %arg4[%mul3A_48, %dma_wait3A_51] : memref<8192x1024xf32, #tpu.memory_space<hbm>> -> memref<8x1024xf32, #tpu.memory_space<hbm>>
    tpu.wait_dma2 semaphore(%arg20 : memref<!tpu.dma_semaphore, #tpu.memory_space<semaphore_mem>>) src(%arg12 : memref<8x1024xf32, #tpu.memory_space<vmem>>) dst(%dma_wait3A_52 : memref<8x1024xf32, #tpu.memory_space<hbm>>)
    %mul3A_53 = arith.constant 8 : i32
    %mul3A_54 = arith.muli %add3A, %mul3A_53 : i32
    %dma_wait3A_55 = arith.constant 0 : i32
    %dma_wait3A_56 = tpu.memref_slice %arg4[%mul3A_54, %dma_wait3A_55] : memref<8192x1024xf32, #tpu.memory_space<hbm>> -> memref<8x1024xf32, #tpu.memory_space<hbm>>
    %dma_wait3A_57 = arith.constant 0 : i32
    %dma_wait3A_58 = tpu.memref_slice %arg4[%mul3A_54, %dma_wait3A_57] : memref<8192x1024xf32, #tpu.memory_space<hbm>> -> memref<8x1024xf32, #tpu.memory_space<hbm>>
    tpu.wait_dma2 semaphore(%arg21 : memref<!tpu.dma_semaphore, #tpu.memory_space<semaphore_mem>>) src(%arg13 : memref<8x1024xf32, #tpu.memory_space<vmem>>) dst(%dma_wait3A_58 : memref<8x1024xf32, #tpu.memory_space<hbm>>)
    return
  }
}

</mosaic_0001>

<sc_bundles>
// kernel: _permute.3.cloned.1.call-start
scs
__scs_entry_jumppad:
0x0: {  	(pc) =	sbr.rel $0x88, $3  }
0x1: {  	(tag) =	ssettag $0x0;
	lr =	simm.s32 $0x1  }
0x2: {  	[smem:$0x3F9F] =	sst lr;
	_ =	strace $0xD0000000  }
0x3: {  	_ = 	snop  }
0x4: {  	_ = 	snop  }
0x5: {  	_ = 	snop  }
0x6: {  	_ = 	snop  }
0x7: {  	_ = 	snop  }
__scs_overlays_trampoline_lowered:
0x8: {  	[smem:$0x3FAE] =	sst s0  }
0x9: {  	[smem:$0x3FAF] =	sst s1  }
0xa: {  	[smem:$0x3FB0] =	sst s2  }
0xb: {  	[smem:$0x3FB1] =	sst s3  }
0xc: {  	[smem:$0x3FB2] =	sst s4  }
0xd: {  	[smem:$0x3FB3] =	sst s5  }
0xe: {  	[smem:$0x3FB4] =	sst s6  }
0xf: {  	[smem:$0x3FB5] =	sst s7  }
0x10: {  	[smem:$0x3FB6] =	sst s8  }
0x11: {  	[smem:$0x3FB7] =	sst s9;
	s0 =	simm.s32 @!p0 $0x0  }
0x12: {  	s1 =	sld [smem:$0x3F9D];
	s0 =	simm.s32 @p0 $0x1  }
0x13: {  	[smem:$0x3FB8] =	sst s0;
	s0 =	simm.s32 @!p1 $0x0  }
0x14: {  	s2 =	sld [smem:$0x3F9C];
	s0 =	simm.s32 @p1 $0x1  }
0x15: {  	[smem:$0x3FB9] =	sst s0;
	s0 =	simm.s32 @!p2 $0x0  }
0x16: {  	s3 =	sld [smem:$0x3FDB];
	s0 =	simm.s32 @p2 $0x1  }
0x17: {  	s4 =	simm.s32 $0x1BF5;
	[smem:$0x3FBB] =	sst s0  }
0x18: {  	s0 =	sld [smem:$0x3F9E];
	_ =	swait.ge [sflag:s4], $0x0  }
0x19: {  	s7 =	sld [smem:$0x3F9F]  }
0x1a: {  	s8 =	sadd.s32 $0xFFFFE003, lr  }
0x1b: {  	s9 =	sadd.s32 $0xFFFFFEF7, lr;
	s5 =	simm.s32 $0xFFFFFFFF;
	p2 =	slt.u32 s8, $0xFFFFF086  }
0x1c: {  	p1 =	slt.u32 s9, $0xF7A;
	s5 =	simm.s32 @!p2 $0x0  }
0x1d: {  	s5 =	simm.s32 @p1 $0x1;
	p0 =	seq.s32 s7, s2  }
0x1e: {  	s7 =	smul.u32 @!p0 $0xF7A, s2;
	p2 =	seq.s32 @!p0 s5, $0x0  }
0x1f: {  	s9 =	smul.u32 $0xF7A, s1;
	s8 =	simm.s32 @!p0 $0x1BF5;
	p2 =	por !p2, p0  }
0x20: {  	[sflag:s8] =	ssyncset.s32 @!p0 $0xFFFFF086;
	s6 =	sadd.s32 @!p0 s3, s7;
	s7 =	simm.s32 @!p0 $0x108  }
0x21: {  	s3 =	sadd.s32 s3, s9;
	s6 =	sadd.s32 @!p0 $0x88, s6;
	s7 =	simm.s32 @p2 $0x1082  }
0x22: {  	[simem:s7], [sflag:s8] =	dma.local @!p0 [hbm:s6], $0xF7A  }
0x23: {  	s9 =	sor.u32 $0xD0000000, s2;
	s6 =	simm.s32 $0x108;
	_ =	swait.ge @!p0 [sflag:s8], $0x0  }
0x24: {  	s3 =	sadd.s32 $0x88, s3;
	s6 =	simm.s32 @!p1 $0x1082;
	[sflag:s4] =	ssyncset.s32 $0xFFFFF086  }
0x25: {  	[simem:s6], [sflag:s4] =	dma.local [hbm:s3], $0xF7A  }
0x26: {  	[smem:$0x3F9F] =	sst s1;
	(tag) =	ssettag s2;
	_ =	strace s9  }
0x27: {  	s1 =	sld [smem:$0x3FAF]  }
0x28: {  	s2 =	sld [smem:$0x3FB0]  }
0x29: {  	s4 =	sld [smem:$0x3FB2]  }
0x2a: {  	p0 =	seq.s32 s5, $0x0;
	s5 =	sld [smem:$0x3FB3]  }
0x2b: {  	s6 =	sld [smem:$0x3FB4]  }
0x2c: {  	s7 =	sld [smem:$0x3FB5]  }
0x2d: {  	s3 =	simm.s32 $0x108;
	s8 =	sld [smem:$0x3FB6]  }
0x2e: {  	s3 =	simm.s32 @!p0 $0x1082;
	s9 =	sld [smem:$0x3FB7]  }
0x2f: {  	lr =	sadd.s32 s0, s3;
	s0 =	sld [smem:$0x3FAE]  }
0x30: {  	s3 =	sld [smem:$0x3FB1]  }
0x31: {  	[smem:$0x3FBA] =	sst s10  }
0x32: {  	s10 =	sld [smem:$0x3FB8];
	_ =	sdelay $0x3  }
0x33: {  	p0 =	seq.s32 s10, $0x1;
	s10 =	sld [smem:$0x3FBA];
	_ =	sdelay $0x3  }
0x34: {  	[smem:$0x3FBA] =	sst s10  }
0x35: {  	s10 =	sld [smem:$0x3FB9];
	_ =	sdelay $0x3  }
0x36: {  	p1 =	seq.s32 s10, $0x1;
	s10 =	sld [smem:$0x3FBA];
	_ =	sdelay $0x3  }
0x37: {  	[smem:$0x3FBA] =	sst s10  }
0x38: {  	s10 =	sld [smem:$0x3FBB]  }
0x39: {  	_ = 	snop;
	(pc) =	sbr.ind lr, $3  }
0x3a: {  	_ = 	snop  }
0x3b: {  	_ = 	snop  }
0x3c: {  	p2 =	seq.s32 s10, $0x1;
	s10 =	sld [smem:$0x3FBA]  }
0x3d: {  	_ =	shalt  }
0x3e: {  	_ =	shalt  }
0x3f: {  	_ =	shalt  }
0x40: {  	_ =	shalt  }
0x41: {  	_ =	shalt  }
0x42: {  	_ =	shalt  }
0x43: {  	_ =	shalt  }
0x44: {  	_ =	shalt  }
0x45: {  	_ =	shalt  }
0x46: {  	_ =	shalt  }
0x47: {  	_ =	shalt  }
0x48: {  	_ =	shalt  }
0x49: {  	_ =	shalt  }
0x4a: {  	_ =	shalt  }
0x4b: {  	_ =	shalt  }
0x4c: {  	_ =	shalt  }
0x4d: {  	_ =	shalt  }
0x4e: {  	_ =	shalt  }
0x4f: {  	_ =	shalt  }
0x50: {  	_ =	shalt  }
0x51: {  	_ =	shalt  }
0x52: {  	_ =	shalt  }
0x53: {  	_ =	shalt  }
0x54: {  	_ =	shalt  }
0x55: {  	_ =	shalt  }
0x56: {  	_ =	shalt  }
0x57: {  	_ =	shalt  }
0x58: {  	_ =	shalt  }
0x59: {  	_ =	shalt  }
0x5a: {  	_ =	shalt  }
0x5b: {  	_ =	shalt  }
0x5c: {  	_ =	shalt  }
0x5d: {  	_ =	shalt  }
0x5e: {  	_ =	shalt  }
0x5f: {  	_ =	shalt  }
0x60: {  	_ =	shalt  }
0x61: {  	_ =	shalt  }
0x62: {  	_ =	shalt  }
0x63: {  	_ =	shalt  }
0x64: {  	_ =	shalt  }
0x65: {  	_ =	shalt  }
0x66: {  	_ =	shalt  }
0x67: {  	_ =	shalt  }
0x68: {  	_ =	shalt  }
0x69: {  	_ =	shalt  }
0x6a: {  	_ =	shalt  }
0x6b: {  	_ =	shalt  }
0x6c: {  	_ =	shalt  }
0x6d: {  	_ =	shalt  }
0x6e: {  	_ =	shalt  }
0x6f: {  	_ =	shalt  }
0x70: {  	_ =	shalt  }
0x71: {  	_ =	shalt  }
0x72: {  	_ =	shalt  }
0x73: {  	_ =	shalt  }
0x74: {  	_ =	shalt  }
0x75: {  	_ =	shalt  }
0x76: {  	_ =	shalt  }
0x77: {  	_ =	shalt  }
0x78: {  	_ =	shalt  }
0x79: {  	_ =	shalt  }
0x7a: {  	_ =	shalt  }
0x7b: {  	_ =	shalt  }
0x7c: {  	_ =	shalt  }
0x7d: {  	_ =	shalt  }
0x7e: {  	_ =	shalt  }
0x7f: {  	_ =	shalt  }
0x80: {  	_ =	shalt  }
0x81: {  	_ =	shalt  }
0x82: {  	_ =	shalt  }
0x83: {  	_ =	shalt  }
0x84: {  	_ =	shalt  }
0x85: {  	_ =	shalt  }
0x86: {  	_ =	shalt  }
0x87: {  	_ =	shalt  }
.Lfunc_end0:
.L_simem_size_0:
called_computation_lowered:
.L_overlay_start_0:
0x88: {  	s2 =	sld [smem:$0x3FD9]  }
0x89: {  	s3 =	sld [smem:$0x3FFE];
	_ =	sdelay $0x1  }
0x8a: {  	s1 =	srdreg.scid  }
0x8b: {  	s0 =	sand.u32 $0x1, s1  }
0x8c: {  	s18 =	sshll.u32 s0, $0xA;
	s2 =	sadd.s32 s3, s2  }
0x8d: {  	s2 =	sadd.s32 s2, s18  }
0x8e: {  	[smem:$0x3FC6] =	sst s2  }
0x8f: {  	_ = 	snop  }
0x90: {  	s2 =	sld [smem:$0x3FC9]  }
0x91: {  	s19 =	sld [smem:$0x3FC8]  }
0x92: {  	s4 =	sld [smem:$0x3FD0];
	(tm) =	ssettm $0x1  }
0x93: {  	s5 =	sld [smem:$0x3FFB];
	_ =	sdelay $0x3  }
0x94: {  	_ =	strace s5  }
0x95: {  	s5 =	sld [smem:$0x3FFC];
	_ =	sdelay $0x3  }
0x96: {  	_ =	strace s5  }
0x97: {  	s5 =	sld [smem:$0x3FFD];
	_ =	sdelay $0x3  }
0x98: {  	_ =	strace s5  }
0x99: {  	_ =	strace $0x8FFFFFFF  }
0x9a: {  	s20 =	sld [smem:$0x3FDB];
	_ =	sdelay $0x1  }
0x9b: {  	s6 =	simm.s32 $_scs_section_size  }
0x9c: {  	s7 =	simm.s32 $_size__tile_overlayer_lowered;
	s8 =	simm.s32 $_tile_overlayer_lowered  }
0x9d: {  	s23 =	simm.s32 $0x1BFF;
	s22 =	sshll.u32 s8, $0x1;
	s5 =	sadd.s32 s6, s20  }
0x9e: {  	s9 =	simm.s32 $0x0;
	s21 =	sshll.u32 s7, $0x1;
	s7 =	sadd.s32 s22, s5  }
0x9f: {  	[timem:s9], [sflag:s23] =	dma.local [hbm:s7], s21  }
0xa0: {  	_ =	swait.ge [sflag:s23], s21  }
0xa1: {  	s6 =	ssub.s32 $0x0, s21;
	[sflag:s23] =	ssyncset.done $0x0  }
0xa2: {  	[sflag:s23] =	ssyncadd.s32 s6;
	_ =	sdelay $0x1  }
0xa3: {  	s24 =	simm.s32 $0x1B8B  }
0xa4: {  	_ =	swait.ge [sflag:s24], $0x1  }
0xa5: {  	[sflag:s24] =	ssyncset.done $0x0  }
0xa6: {  	s25 =	simm.s32 $0x1B8E;
	[sflag:s24] =	ssyncadd.s32 $0xFFFFFFFF  }
0xa7: {  	s26 =	simm.s32 $execute0_lowered;
	[smem:$0x3FD2] =	sst s25  }
0xa8: {  	s6 =	sshll.u32 s26, $0x1;
	_ =	strace $0x80000046;
	[dreg:$0x1] =	wrdreg $0xFFFFFFFF  }
0xa9: {  	s28 =	simm.s32 $_size_execute0_lowered;
	s5 =	sadd.s32 s5, s6;
	[dreg:$0x0] =	wrdreg $0x0  }
0xaa: {  	s6 =	sshll.u32 s28, $0x1;
	[dreg:$0x2] =	wrdreg s5  }
0xab: {  	[dreg:$0x3] =	wrdreg s6  }
0xac: {  	[dreg:$0x4] =	wrdreg $0xC0  }
0xad: {  	_ =	task [dreg:s9], $0x5FFFF  }
0xae: {  	[dreg:$0x1] =	wrdreg $0xFFFFFFFF  }
0xaf: {  	[dreg:$0x0] =	wrdreg $0x60  }
0xb0: {  	[dreg:$0x2] =	wrdreg s2  }
0xb1: {  	[dreg:$0x3] =	wrdreg s19  }
0xb2: {  	[dreg:$0x4] =	wrdreg s4  }
0xb3: {  	[dreg:$0x5] =	wrdreg $0x9  }
0xb4: {  	_ =	task.clear_ibuf [dreg:s9], $0x6FFFF;
	_ =	strace $0x90000046  }
0xb5: {  	s29 =	simm.s32 $0x9;
	_ =	strace $0x80000048  }
0xb6: {  	_ =	swait.ge [sflag:s29], $0x1  }
0xb7: {  	[sflag:s29] =	ssyncadd.s32 $0xFFFFFFFF  }
0xb8: {  	_ =	strace $0x90000048  }
0xb9: {  	_ =	sfence  }
0xba: {  	s30 =	sld [smem:$0x0];
	_ =	sdelay $0x2  }
0xbb: {  	s31 =	sshll.u32 s1, $0xD;
	s1 =	sshrl.u32 s1, $0x2  }
0xbc: {  	s3 =	sand.u32 $0x4000, s31;
	s1 =	sadd.s32 s1, s30  }
0xbd: {  	s0 =	sor.u32 s3, s0;
	s1 =	sshll.u32 s1, $0x11  }
0xbe: {  	s0 =	sor.u32 s1, s0  }
0xbf: {  	s0 =	sadd.s32 $0x8F2B, s0  }
0xc0: {  	[sflag:s0] =	ssyncadd.remote.s32 $0x1  }
0xc1: {  	_ =	sfence.sel $0xFFFF  }
0xc2: {  	[dreg:$0x0] =	wrdreg $0xFFFFFFFF;
	(pc) =	sbr.abs _section_cstart, $3  }
0xc3: {  	[dreg:$0x1] =	wrdreg $0xFFFFFFFF  }
0xc4: {  	_ =	task.clear_ibuf [dreg:s9], $0x2FFFF;
	_ =	strace $0x9FFFFFFF  }
0xc5: {  	(tm) =	ssettm $0x7FFFFFFF  }
tec
execute0_lowered:
.L_overlay_start_1:
0x0: {  	(tag) =	ssettag $0x1  }
0x1: {  	s0 =	rddreg [dreg:$0x0]  }
0x2: {  	s4 =	rddreg [dreg:$0x2];
	s1 =	srdreg.scid  }
0x3: {  	s2 =	stileid.u32;
	s17 =	simm.s32 $0x0;
	s1 =	sand.u32 $0x1, s1  }
0x4: {  	s2 =	sshll.u32 s2, $0xB;
	[smem:$0x7FF] =	sst s17;
	s25 =	sadd.s32 $0x8000, s4  }
0x5: {  	s28 =	sadd.s32 $0x10000, s4;
	_ =	strace $0x80000047;
	[dreg:$0xa] =	wrdreg s25  }
0x6: {  	s30 =	sadd.s32 $0x18000, s4;
	s3 =	sshll.u32 s1, $0xA;
	[dreg:$0xc] =	wrdreg s28  }
0x7: {  	[dreg:$0xe] =	wrdreg s30;
	s3 =	sor.u32 s3, s2  }
0x8: {  	[dreg:$0x4] =	wrdreg s3;
	s3 =	sadd.s32 s0, s3  }
0x9: {  	s21 =	sadd.s32 $0x8000, s3;
	[dreg:$0x5] =	wrdreg s3  }
0xa: {  	s18 =	simm.s32 $0x400;
	s22 =	sadd.s32 $0x10000, s3;
	[dreg:$0x6] =	wrdreg s21  }
0xb: {  	s1 =	ssub.s32 $0x2, s1;
	s23 =	sadd.s32 $0x18000, s3;
	[dreg:$0x7] =	wrdreg s22  }
0xc: {  	s19 =	sshrl.u32 s1, $0x1;
	s24 =	sadd.s32 $0x20000, s3;
	[dreg:$0x8] =	wrdreg s23  }
.Ltmp0:
0xd: {  	s26 =	sadd.s32 $0x28000, s3;
	[dreg:$0x9] =	wrdreg s24;
	(pc) =	sbr.rel .LBB2_1-.Ltmp0, $4  }
0xe: {  	s2 =	simm.s32 $0x0;
	s29 =	sadd.s32 $0x30000, s3;
	[dreg:$0xb] =	wrdreg s26  }
0xf: {  	s20 =	ssub.s32 s1, s19;
	s31 =	sadd.s32 $0x38000, s3;
	[dreg:$0xd] =	wrdreg s29  }
0x10: {  	s19 =	simm.s32 $0x2400;
	s0 =	smax.u32 s20, $0x1;
	[dreg:$0xf] =	wrdreg s31  }
0x11: {  	s20 =	simm.s32 $0x4400;
	[dreg:$0x10] =	wrdreg s0;
	s21 =	simm.s32 $0x6400  }
.LBB2_24:
0x12: {  	s0 =	simm.s32 $0x5  }
0x13: {  	_ =	swait.ge [sflag:s0], $0x2000  }
0x14: {  	[sflag:s0] =	ssyncset.done $0x0  }
0x15: {  	s29 =	simm.s32 $0x6;
	[sflag:s0] =	ssyncadd.s32 $0xFFFFE000  }
0x16: {  	_ =	swait.ge [sflag:s29], $0x2000  }
0x17: {  	[sflag:s29] =	ssyncset.done $0x0  }
0x18: {  	s30 =	simm.s32 $0x7;
	[sflag:s29] =	ssyncadd.s32 $0xFFFFE000  }
0x19: {  	_ =	swait.ge [sflag:s30], $0x2000  }
0x1a: {  	[sflag:s30] =	ssyncset.done $0x0  }
0x1b: {  	s1 =	simm.s32 $0x8;
	[sflag:s30] =	ssyncadd.s32 $0xFFFFE000  }
0x1c: {  	_ =	swait.ge [sflag:s1], $0x2000  }
0x1d: {  	s2 =	rddreg [dreg:$0x11]  }
0x1e: {  	s31 =	rddreg [dreg:$0x10];
	s2 =	sadd.s32 $0x1, s2  }
0x1f: {  	p0 =	sne.s32 s2, s31  }
.Ltmp1:
0x20: {  	_ = 	snop;
	(pc) =	sbr.rel @!p0 .LBB2_25-.Ltmp1, $3  }
0x21: {  	_ =	sdelay $0x1  }
0x22: {  	[sflag:s1] =	ssyncset.done $0x0  }
0x23: {  	[sflag:s1] =	ssyncadd.s32 $0xFFFFE000  }
.LBB2_1:
0x24: {  	[dreg:$0x11] =	wrdreg s2  }
0x25: {  	s0 =	rddreg [dreg:$0x5]  }
0x26: {  	[tilespmem:s18], [sflag:$0x1] =	stream.linear.gather [hbm4b:s0+s17], $0x2000, $0x38;
	[tilespmem:$0x10400] =	vst v63  }
0x27: {  	s26 =	rddreg [dreg:$0x6]  }
0x28: {  	[tilespmem:s19], [sflag:$0x2] =	stream.linear.gather [hbm4b:s26+s17], $0x2000, $0x38;
	[tilespmem:$0x10400] =	vst v63  }
0x29: {  	s28 =	rddreg [dreg:$0x7]  }
0x2a: {  	[tilespmem:s20], [sflag:$0x3] =	stream.linear.gather [hbm4b:s28+s17], $0x2000, $0x38;
	[tilespmem:$0x10400] =	vst v63  }
0x2b: {  	s29 =	rddreg [dreg:$0x8]  }
0x2c: {  	[tilespmem:s21], [sflag:$0x4] =	stream.linear.gather [hbm4b:s29+s17], $0x2000, $0x38;
	[tilespmem:$0x10400] =	vst v63  }
0x2d: {  	s30 =	rddreg [dreg:$0x1];
	s31 =	simm.s32 $0x9  }
0x2e: {  	[tilespmem:s17], [sflag:$0x9] =	stream.linear.gather [hbm4b:s30+s17], $0x400, $0x38;
	[tilespmem:$0x10400] =	vst v63  }
0x2f: {  	_ =	swait.ge [sflag:s31], $0x400  }
0x30: {  	[sflag:s31] =	ssyncset.done $0x0  }
0x31: {  	s9 =	simm.s32 $0x0;
	[sflag:s31] =	ssyncadd.s32 $0xFFFFFC00  }
.LBB2_2:
0x32: {  	s0 =	simm.s32 $0x1  }
0x33: {  	_ =	swait.ge [sflag:s0], $0x2000  }
0x34: {  	p0 =	seq.s32 s9, $0x0;
	[sflag:s0] =	ssyncset.done $0x0  }
0x35: {  	s3 =	simm.s32 $0x0;
	[sflag:s0] =	ssyncadd.s32 $0xFFFFE000;
	s0 =	simm.s32 @!p0 $0x5  }
0x36: {  	s1 =	sand.u32 $0x40, s3;
	_ =	swait.ge @!p0 [sflag:s0], $0x2000  }
0x37: {  	s2 =	sand.u32 $0x380, s3;
	s5 =	sor.u32 $0x30, s1;
	[sflag:s0] =	ssyncset.done @!p0 $0x0  }
0x38: {  	s14 =	sor.u32 s5, s2;
	[sflag:s0] =	ssyncadd.s32 @!p0 $0xFFFFE000  }
0x39: {  	v0 =	vld [tilespmem:s14+$0x0]  }
0x3a: {  	s15 =	sor.u32 $0x10, s1;
	v1 =	vld [tilespmem:s3+$0x0]  }
0x3b: {  	s6 =	sor.u32 $0x20, s1;
	s7 =	sor.u32 s15, s2  }
0x3c: {  	s2 =	sor.u32 s6, s2;
	v2 =	vld [tilespmem:s7+$0x0]  }
0x3d: {  	v3 =	vld [tilespmem:s2+$0x0]  }
0x3e: {  	v4 =	vshll.u32 v0, $0x3  }
0x3f: {  	v5 =	vshll.u32 v1, $0x3;
	v0 =	vand.u32 $0x7F, v0;
	v4 =	vand.u32 $0xFFFFFC00, v4  }
0x40: {  	v1 =	vand.u32 $0x7F, v1;
	v6 =	vand.u32 $0xFFFFFC00, v5;
	v5 =	vor.u32 v0, v4  }
0x41: {  	v0 =	vor.u32 v1, v6;
	v1 =	vshll.u32 v2, $0x3  }
0x42: {  	v4 =	vshll.u32 v3, $0x3;
	v2 =	vand.u32 $0x7F, v2;
	v1 =	vand.u32 $0xFFFFFC00, v1  }
0x43: {  	v6 =	vand.u32 $0xFFFFFC00, v4;
	v4 =	vor.u32 v2, v1;
	v1 =	vand.u32 $0x7F, v3  }
0x44: {  	v3 =	vor.u32 v1, v6  }
0x45: {  	v1 =	vld.idx.msk [tilespmem:v5+s18+$0x0], $0xffff  }
0x46: {  	v6 =	vor.u32 $0x80, v5;
	v2 =	vld.idx.msk [tilespmem:v0+s18+$0x0], $0xffff  }
0x47: {  	s16 =	sand.u32 $0x1C00, s3;
	v7 =	vor.u32 $0x80, v0  }
0x48: {  	s2 =	sadd.s32 $0x8400, s16;
	v8 =	vld.idx.msk [tilespmem:v4+s18+$0x0], $0xffff  }
0x49: {  	s22 =	sor.u32 s5, s2;
	v9 =	vor.u32 $0x80, v4;
	v10 =	vld.idx.msk [tilespmem:v3+s18+$0x0], $0xffff  }
0x4a: {  	s1 =	sor.u32 s1, s2;
	v11 =	vor.u32 $0x80, v3;
	[tilespmem:s22+$0x0] =	vst v1  }
0x4b: {  	[tilespmem:s1+$0x0] =	vst v2;
	v1 =	vld.idx.msk [tilespmem:v6+s18+$0x0], $0xffff  }
0x4c: {  	s8 =	sor.u32 s15, s2;
	v2 =	vld.idx.msk [tilespmem:v7+s18+$0x0], $0xffff;
	v6 =	vor.u32 $0x100, v5  }
0x4d: {  	s23 =	sor.u32 s6, s2;
	v7 =	vor.u32 $0x100, v0;
	[tilespmem:s8+$0x0] =	vst v8  }
0x4e: {  	v8 =	vld.idx.msk [tilespmem:v9+s18+$0x0], $0xffff;
	[tilespmem:s23+$0x0] =	vst v10  }
0x4f: {  	v9 =	vor.u32 $0x100, v4;
	v10 =	vld.idx.msk [tilespmem:v11+s18+$0x0], $0xffff  }
0x50: {  	v11 =	vor.u32 $0x100, v3;
	[tilespmem:s22+$0x80] =	vst v1  }
0x51: {  	[tilespmem:s1+$0x80] =	vst v2;
	v1 =	vld.idx.msk [tilespmem:v6+s18+$0x0], $0xffff  }
0x52: {  	v2 =	vld.idx.msk [tilespmem:v7+s18+$0x0], $0xffff;
	v6 =	vor.u32 $0x180, v5  }
0x53: {  	v7 =	vor.u32 $0x180, v0;
	[tilespmem:s8+$0x80] =	vst v8  }
0x54: {  	v8 =	vld.idx.msk [tilespmem:v9+s18+$0x0], $0xffff;
	[tilespmem:s23+$0x80] =	vst v10  }
0x55: {  	s6 =	simm.s32 $0x40;
	v9 =	vor.u32 $0x180, v4;
	v10 =	vld.idx.msk [tilespmem:v11+s18+$0x0], $0xffff  }
0x56: {  	s24 =	sand.u32 $0x40, s6;
	v11 =	vld [tilespmem:s6+$0x0];
	[tilespmem:s22+$0x100] =	vst v1  }
0x57: {  	s11 =	sand.u32 $0x380, s6;
	s25 =	sor.u32 $0x30, s24;
	[tilespmem:s1+$0x100] =	vst v2;
	v1 =	vld.idx.msk [tilespmem:v6+s18+$0x0], $0xffff  }
0x58: {  	s12 =	sor.u32 s25, s11;
	v2 =	vor.u32 $0x180, v3;
	v6 =	vld.idx.msk [tilespmem:v7+s18+$0x0], $0xffff  }
0x59: {  	s10 =	sor.u32 $0x10, s24;
	v7 =	vor.u32 $0x200, v5;
	[tilespmem:s8+$0x100] =	vst v8;
	v8 =	vld [tilespmem:s12+$0x0]  }
0x5a: {  	s26 =	sor.u32 $0x20, s24;
	s13 =	sor.u32 s10, s11;
	v9 =	vld.idx.msk [tilespmem:v9+s18+$0x0], $0xffff  }
0x5b: {  	s11 =	sor.u32 s26, s11;
	v13 =	vld [tilespmem:s13+$0x0];
	v12 =	vor.u32 $0x200, v4;
	v14 =	vshll.u32 v11, $0x3  }
0x5c: {  	v15 =	vld [tilespmem:s11+$0x0];
	[tilespmem:s23+$0x100] =	vst v10;
	v10 =	vor.u32 $0x200, v0;
	v11 =	vand.u32 $0x7F, v11;
	v14 =	vand.u32 $0xFFFFFC00, v14  }
0x5d: {  	p1 =	por $0x0, $0x0;
	s7 =	simm.s32 $0x1;
	v16 =	vld.idx.msk [tilespmem:v2+s18+$0x0], $0xffff;
	[tilespmem:s22+$0x180] =	vst v1;
	v1 =	vor.u32 v11, v14  }
0x5e: {  	s7 =	simm.s32 @!p1 $0x0;
	v11 =	vor.u32 $0x200, v3;
	v7 =	vld.idx.msk [tilespmem:v7+s18+$0x0], $0xffff;
	v2 =	vshll.u32 v8, $0x3  }
0x5f: {  	s7 =	sshll.u32 s7, $0x6;
	v8 =	vand.u32 $0x7F, v8;
	[tilespmem:s8+$0x180] =	vst v9;
	v2 =	vand.u32 $0xFFFFFC00, v2;
	v9 =	vor.u32 $0x280, v5  }
0x60: {  	v14 =	vor.u32 $0x280, v4;
	[tilespmem:s1+$0x180] =	vst v6;
	s8 =	sadd.s32 $0x0, s7;
	v6 =	vld.idx.msk [tilespmem:v12+s18+$0x0], $0xffff;
	v12 =	vshll.u32 v13, $0x3;
	v2 =	vor.u32 v8, v2  }
0x61: {  	v8 =	vld.idx.msk [tilespmem:v10+s18+$0x0], $0xffff;
	v10 =	vshll.u32 v15, $0x3;
	v13 =	vand.u32 $0x7F, v13;
	s1 =	sadd.s32 $0x30, s8;
	v12 =	vand.u32 $0xFFFFFC00, v12  }
0x62: {  	v10 =	vand.u32 $0xFFFFFC00, v10;
	[tilespmem:s23+$0x180] =	vst v16;
	s29 =	sor.u32 $0x200, s1;
	v17 =	vld.idx.msk [tilespmem:v1+s18+$0x0], $0xffff;
	v21 =	vor.u32 v13, v12;
	v12 =	vand.u32 $0x7F, v15  }
0x63: {  	s11 =	sadd.s32 $0x10, s8;
	v11 =	vld.idx.msk [tilespmem:v11+s18+$0x0], $0xffff;
	v10 =	vor.u32 v12, v10;
	[tilespmem:s29+$0x8400] =	vst v7  }
0x64: {  	s30 =	sor.u32 $0x200, s11;
	v7 =	vor.u32 $0x280, v0;
	v9 =	vld.idx.msk [tilespmem:v9+s18+$0x0], $0xffff  }
0x65: {  	s7 =	simm.s32 $0x200;
	s4 =	sor.u32 $0x200, s8;
	v12 =	vor.u32 $0x280, v3;
	v13 =	vld.idx.msk [tilespmem:v2+s18+$0x0], $0xffff;
	[tilespmem:s30+$0x8400] =	vst v6  }
0x66: {  	s13 =	sadd.s32 $0x20, s8;
	s15 =	sand.u32 $0x1C00, s7;
	[tilespmem:s4+$0x8400] =	vst v8;
	v8 =	vor.u32 $0x80, v1;
	v6 =	vld.idx.msk [tilespmem:v14+s18+$0x0], $0xffff  }
0x67: {  	s14 =	sor.u32 $0x200, s13;
	s0 =	sadd.s32 $0x8400, s15;
	v14 =	vor.u32 $0x300, v5;
	v15 =	vld.idx.msk [tilespmem:v21+s18+$0x0], $0xffff  }
0x68: {  	v16 =	vor.u32 $0x80, v2;
	s31 =	sor.u32 s24, s0;
	[tilespmem:s14+$0x8400] =	vst v11;
	v18 =	vld.idx.msk [tilespmem:v10+s18+$0x0], $0xffff  }
0x69: {  	s16 =	sor.u32 $0x280, s1;
	v19 =	vor.u32 $0x80, v21;
	[tilespmem:s31+$0x0] =	vst v17;
	v22 =	vld.idx.msk [tilespmem:v7+s18+$0x0], $0xffff  }
0x6a: {  	s5 =	sor.u32 s25, s0;
	v7 =	vor.u32 $0x80, v10;
	v11 =	vld.idx.msk [tilespmem:v12+s18+$0x0], $0xffff;
	[tilespmem:s16+$0x8400] =	vst v9  }
0x6b: {  	s22 =	sor.u32 $0x280, s11;
	v9 =	vor.u32 $0x300, v4;
	[tilespmem:s5+$0x0] =	vst v13;
	v8 =	vld.idx.msk [tilespmem:v8+s18+$0x0], $0xffff  }
0x6c: {  	s2 =	sor.u32 s10, s0;
	v13 =	vor.u32 $0x300, v3;
	v12 =	vld.idx.msk [tilespmem:v14+s18+$0x0], $0xffff;
	[tilespmem:s22+$0x8400] =	vst v6  }
0x6d: {  	s12 =	sor.u32 s26, s0;
	v5 =	vor.u32 $0x380, v5;
	v16 =	vld.idx.msk [tilespmem:v16+s18+$0x0], $0xffff;
	[tilespmem:s2+$0x0] =	vst v15  }
0x6e: {  	s23 =	sor.u32 $0x280, s13;
	v17 =	vor.u32 $0x100, v2;
	v15 =	vld.idx.msk [tilespmem:v19+s18+$0x0], $0xffff;
	[tilespmem:s12+$0x0] =	vst v18  }
0x6f: {  	s26 =	sor.u32 $0x280, s8;
	v19 =	vor.u32 $0x100, v1;
	[tilespmem:s23+$0x8400] =	vst v11;
	v7 =	vld.idx.msk [tilespmem:v7+s18+$0x0], $0xffff  }
0x70: {  	s24 =	sor.u32 $0x300, s1;
	v6 =	vor.u32 $0x100, v21;
	[tilespmem:s26+$0x8400] =	vst v22;
	v23 =	vld.idx.msk [tilespmem:v9+s18+$0x0], $0xffff  }
0x71: {  	v20 =	vor.u32 $0x100, v10;
	v14 =	vld.idx.msk [tilespmem:v13+s18+$0x0], $0xffff;
	[tilespmem:s24+$0x8400] =	vst v12  }
0x72: {  	[tilespmem:s5+$0x80] =	vst v16;
	v16 =	vor.u32 $0x300, v0;
	v24 =	vld.idx.msk [tilespmem:v5+s18+$0x0], $0xffff  }
0x73: {  	v25 =	vor.u32 $0x380, v4;
	[tilespmem:s31+$0x80] =	vst v8;
	v18 =	vld.idx.msk [tilespmem:v17+s18+$0x0], $0xffff  }
0x74: {  	s28 =	sor.u32 $0x380, s11;
	v4 =	vor.u32 $0x380, v21;
	v17 =	vld.idx.msk [tilespmem:v19+s18+$0x0], $0xffff;
	[tilespmem:s2+$0x80] =	vst v15  }
0x75: {  	s25 =	sor.u32 s3, s3;
	s10 =	simm.s32 $0x4;
	s1 =	sor.u32 $0x380, s1;
	v11 =	vor.u32 $0x200, v21;
	v22 =	vor.u32 $0x180, v2;
	v13 =	vor.u32 $0x180, v21;
	v19 =	vld.idx.msk [tilespmem:v6+s18+$0x0], $0xffff;
	[tilespmem:s12+$0x80] =	vst v7  }
0x76: {  	s29 =	sor.u32 $0x300, s11;
	s4 =	sshll.u32 s9, $0x11;
	s30 =	sor.u32 s7, s6;
	v8 =	vor.u32 $0x280, v21;
	v6 =	vor.u32 $0x300, v21;
	v21 =	vor.u32 $0x180, v1;
	v20 =	vld.idx.msk [tilespmem:v20+s18+$0x0], $0xffff  }
0x77: {  	s3 =	sor.u32 $0x380, s30;
	s14 =	simm.s32 $0x80;
	s16 =	sor.u32 $0x300, s13;
	v3 =	vor.u32 $0x380, v3;
	v9 =	vor.u32 $0x200, v10;
	v12 =	vor.u32 $0x180, v10;
	[tilespmem:s29+$0x8400] =	vst v23;
	v15 =	vld.idx.msk [tilespmem:v16+s18+$0x0], $0xffff  }
0x78: {  	s22 =	sor.u32 $0x380, s25;
	s24 =	sor.u32 $0x300, s8;
	s8 =	sor.u32 $0x380, s13;
	v5 =	vor.u32 $0x300, v10;
	v7 =	vor.u32 $0x280, v10;
	v10 =	vor.u32 $0x380, v10;
	v16 =	vld.idx.msk [tilespmem:v25+s18+$0x0], $0xffff;
	[tilespmem:s1+$0x8400] =	vst v24  }
.LBB2_3:
0x79: {  	v23 =	vld [tilespmem:s14+$0x0];
	[tilespmem:s5+$0x100] =	vst v18;
	s6 =	sadd.s32 $0x40, s6  }
0x7a: {  	s10 =	sadd.s32 $0x4, s10;
	s11 =	sand.u32 $0x40, s6;
	[tilespmem:s31+$0x100] =	vst v17;
	v17 =	vld.idx.msk [tilespmem:v22+s18+$0x0], $0xffff  }
0x7b: {  	s0 =	sand.u32 $0x380, s6;
	p2 =	slt.u32 s10, $0x3C;
	s13 =	sor.u32 $0x30, s11;
	v18 =	vld.idx.msk [tilespmem:v21+s18+$0x0], $0xffff;
	[tilespmem:s2+$0x100] =	vst v19  }
0x7c: {  	s26 =	sor.u32 $0x10, s11;
	s15 =	sor.u32 $0x20, s11;
	v19 =	vor.u32 $0x200, v2;
	s1 =	sor.u32 s13, s0;
	v13 =	vld.idx.msk [tilespmem:v13+s18+$0x0], $0xffff;
	[tilespmem:s12+$0x100] =	vst v20  }
0x7d: {  	v21 =	vor.u32 $0x200, v1;
	s23 =	sor.u32 s26, s0;
	s0 =	sor.u32 s15, s0;
	v20 =	vld [tilespmem:s1+$0x0];
	[tilespmem:s16+$0x8400] =	vst v14  }
0x7e: {  	v14 =	vld [tilespmem:s23+$0x0];
	[tilespmem:s24+$0x8400] =	vst v15  }
0x7f: {  	v15 =	vshll.u32 v23, $0x3;
	v22 =	vld [tilespmem:s0+$0x0];
	[tilespmem:s28+$0x8400] =	vst v16  }
0x80: {  	v16 =	vand.u32 $0x7F, v23;
	v15 =	vand.u32 $0xFFFFFC00, v15;
	v12 =	vld.idx.msk [tilespmem:v12+s18+$0x0], $0xffff;
	[tilespmem:s5+$0x180] =	vst v17;
	v17 =	vor.u32 $0x380, v0;
	v0 =	vmovc v1  }
0x81: {  	p1 =	por !p1, !p1;
	s0 =	simm.s32 $0x1;
	v1 =	vor.u32 v16, v15;
	[tilespmem:s31+$0x180] =	vst v18;
	v15 =	vld.idx.msk [tilespmem:v19+s18+$0x0], $0xffff  }
0x82: {  	s0 =	simm.s32 @!p1 $0x0;
	v16 =	vshll.u32 v20, $0x3;
	v18 =	vld.idx.msk [tilespmem:v21+s18+$0x0], $0xffff;
	[tilespmem:s2+$0x180] =	vst v13  }
0x83: {  	s0 =	sshll.u32 s0, $0x6;
	v13 =	vand.u32 $0x7F, v20;
	v16 =	vand.u32 $0xFFFFFC00, v16;
	v19 =	vld.idx.msk [tilespmem:v11+s18+$0x0], $0xffff;
	v11 =	vor.u32 $0x280, v2  }
0x84: {  	s0 =	sadd.s32 s0, s7;
	v20 =	vshll.u32 v14, $0x3;
	v21 =	vshll.u32 v22, $0x3;
	v16 =	vor.u32 v13, v16;
	v23 =	vld.idx.msk [tilespmem:v3+s18+$0x0], $0xffff;
	v3 =	vmovc v10  }
0x85: {  	s2 =	sadd.s32 $0x10, s0;
	s5 =	sadd.s32 $0x20, s0;
	s30 =	sadd.s32 $0x30, s0;
	v10 =	vand.u32 $0x7F, v14;
	v13 =	vand.u32 $0xFFFFFC00, v20;
	v14 =	vand.u32 $0xFFFFFC00, v21;
	v17 =	vld.idx.msk [tilespmem:v17+s18+$0x0], $0xffff  }
0x86: {  	s28 =	sor.u32 $0x200, s2;
	s1 =	sor.u32 $0x200, s30;
	v10 =	vor.u32 v10, v13;
	v13 =	vand.u32 $0x7F, v22;
	v21 =	vor.u32 $0x280, v0;
	v20 =	vld.idx.msk [tilespmem:v1+s18+$0x0], $0xffff;
	[tilespmem:s12+$0x180] =	vst v12;
	s12 =	sor.u32 $0x200, s5  }
0x87: {  	s16 =	sor.u32 $0x200, s0;
	s29 =	sor.u32 $0x280, s2;
	s25 =	sor.u32 $0x280, s5;
	v22 =	vor.u32 $0x80, v10;
	v24 =	vor.u32 $0x100, v10;
	v14 =	vor.u32 v13, v14;
	v25 =	vld.idx.msk [tilespmem:v9+s18+$0x0], $0xffff;
	[tilespmem:s1+$0x8400] =	vst v15  }
0x88: {  	s23 =	sor.u32 $0x280, s0;
	v13 =	vor.u32 $0x180, v10;
	v15 =	vor.u32 $0x80, v14;
	v26 =	vor.u32 $0x100, v14;
	s1 =	sor.u32 $0x300, s2;
	[tilespmem:s16+$0x8400] =	vst v18;
	s16 =	sor.u32 $0x300, s5;
	v18 =	vld.idx.msk [tilespmem:v11+s18+$0x0], $0xffff  }
0x89: {  	s24 =	sor.u32 $0x300, s0;
	s0 =	sor.u32 $0x380, s5;
	v12 =	vor.u32 $0x180, v14;
	v9 =	vor.u32 $0x200, v14;
	v11 =	vor.u32 $0x200, v10;
	v27 =	vld.idx.msk [tilespmem:v16+s18+$0x0], $0xffff;
	[tilespmem:s28+$0x8400] =	vst v19;
	s28 =	sor.u32 $0x380, s2  }
0x8a: {  	v29 =	vor.u32 $0x300, v2;
	v19 =	vor.u32 $0x280, v14;
	v28 =	vld.idx.msk [tilespmem:v8+s18+$0x0], $0xffff;
	v8 =	vor.u32 $0x280, v10;
	[tilespmem:s8+$0x8400] =	vst v23;
	s8 =	smov.u32 s0  }
0x8b: {  	s7 =	sadd.s32 $0x200, s7;
	v32 =	vor.u32 $0x80, v16;
	v30 =	vor.u32 $0x300, v10;
	v31 =	vor.u32 $0x300, v14;
	v23 =	vld.idx.msk [tilespmem:v10+s18+$0x0], $0xffff;
	[tilespmem:s22+$0x8400] =	vst v17;
	s22 =	smov.u32 s3  }
0x8c: {  	v33 =	vor.u32 $0x380, v10;
	s2 =	sor.u32 s7, s6;
	s0 =	sand.u32 $0x1C00, s7;
	v17 =	vor.u32 $0x80, v1;
	v10 =	vor.u32 $0x380, v14;
	v34 =	vld.idx.msk [tilespmem:v14+s18+$0x0], $0xffff  }
0x8d: {  	s0 =	sadd.s32 $0x8400, s0;
	s3 =	sor.u32 $0x380, s2;
	v35 =	vld.idx.msk [tilespmem:v21+s18+$0x0], $0xffff;
	[tilespmem:s12+$0x8400] =	vst v25;
	s12 =	sor.u32 $0x280, s30  }
0x8e: {  	s31 =	sor.u32 s11, s0;
	s2 =	sor.u32 s26, s0;
	s5 =	sor.u32 s13, s0;
	v14 =	vld.idx.msk [tilespmem:v7+s18+$0x0], $0xffff;
	[tilespmem:s12+$0x8400] =	vst v18;
	v7 =	vmov v19  }
0x8f: {  	s12 =	sor.u32 s15, s0;
	[tilespmem:s5+$0x0] =	vst v27;
	v18 =	vld.idx.msk [tilespmem:v29+s18+$0x0], $0xffff  }
0x90: {  	[tilespmem:s31+$0x0] =	vst v20;
	v19 =	vld.idx.msk [tilespmem:v32+s18+$0x0], $0xffff  }
0x91: {  	v20 =	vor.u32 $0x380, v2;
	v2 =	vmov v16;
	v17 =	vld.idx.msk [tilespmem:v17+s18+$0x0], $0xffff;
	[tilespmem:s2+$0x0] =	vst v23  }
0x92: {  	v21 =	vor.u32 $0x100, v2;
	v16 =	vld.idx.msk [tilespmem:v22+s18+$0x0], $0xffff;
	[tilespmem:s12+$0x0] =	vst v34  }
0x93: {  	v22 =	vor.u32 $0x100, v1;
	v15 =	vld.idx.msk [tilespmem:v15+s18+$0x0], $0xffff;
	[tilespmem:s29+$0x8400] =	vst v28  }
0x94: {  	s0 =	sor.u32 $0x300, s30;
	v23 =	vld.idx.msk [tilespmem:v6+s18+$0x0], $0xffff;
	[tilespmem:s25+$0x8400] =	vst v14;
	v6 =	vmov v30  }
0x95: {  	v14 =	vld.idx.msk [tilespmem:v5+s18+$0x0], $0xffff;
	[tilespmem:s0+$0x8400] =	vst v18;
	v5 =	vmov v31  }
0x96: {  	v25 =	vor.u32 $0x300, v0;
	[tilespmem:s5+$0x80] =	vst v19;
	v27 =	vld.idx.msk [tilespmem:v20+s18+$0x0], $0xffff  }
0x97: {  	[tilespmem:s31+$0x80] =	vst v17;
	v18 =	vld.idx.msk [tilespmem:v21+s18+$0x0], $0xffff  }
.Ltmp2:
0x98: {  	v17 =	vld.idx.msk [tilespmem:v22+s18+$0x0], $0xffff;
	[tilespmem:s2+$0x80] =	vst v16;
	(pc) =	sbr.rel @p2 .LBB2_3-.Ltmp2, $4  }
0x99: {  	v22 =	vor.u32 $0x180, v2;
	v19 =	vld.idx.msk [tilespmem:v24+s18+$0x0], $0xffff;
	[tilespmem:s12+$0x80] =	vst v15  }
0x9a: {  	v21 =	vor.u32 $0x180, v1;
	v20 =	vld.idx.msk [tilespmem:v26+s18+$0x0], $0xffff;
	[tilespmem:s23+$0x8400] =	vst v35  }
0x9b: {  	s0 =	sor.u32 $0x380, s30;
	v15 =	vld.idx.msk [tilespmem:v25+s18+$0x0], $0xffff;
	[tilespmem:s1+$0x8400] =	vst v23  }
0x9c: {  	s14 =	sadd.s32 $0x40, s14;
	v16 =	vld.idx.msk [tilespmem:v4+s18+$0x0], $0xffff;
	[tilespmem:s0+$0x8400] =	vst v27;
	v4 =	vmov v33  }
0x9d: {  	_ =	sdelay $0x2  }
0x9e: {  	[tilespmem:s5+$0x100] =	vst v18  }
0x9f: {  	v18 =	vld.idx.msk [tilespmem:v22+s18+$0x0], $0xffff;
	[tilespmem:s2+$0x100] =	vst v19  }
0xa0: {  	v53 =	vor.u32 $0x200, v2;
	v13 =	vld.idx.msk [tilespmem:v13+s18+$0x0], $0xffff;
	[tilespmem:s12+$0x100] =	vst v20  }
0xa1: {  	v12 =	vld.idx.msk [tilespmem:v12+s18+$0x0], $0xffff;
	_ =	sdelay $0x1  }
0xa2: {  	[tilespmem:s31+$0x100] =	vst v17  }
0xa3: {  	p1 =	por !p1, !p1;
	s0 =	simm.s32 $0x1;
	v17 =	vld.idx.msk [tilespmem:v21+s18+$0x0], $0xffff;
	[tilespmem:s5+$0x180] =	vst v18  }
0xa4: {  	v54 =	vor.u32 $0x200, v1;
	s0 =	simm.s32 @!p1 $0x0;
	v18 =	vld.idx.msk [tilespmem:v53+s18+$0x0], $0xffff;
	[tilespmem:s2+$0x180] =	vst v13  }
0xa5: {  	v55 =	vor.u32 $0x280, v2;
	s0 =	sshll.u32 s0, $0x6;
	v11 =	vld.idx.msk [tilespmem:v11+s18+$0x0], $0xffff;
	[tilespmem:s12+$0x180] =	vst v12  }
0xa6: {  	s0 =	sadd.s32 s0, s7;
	v9 =	vld.idx.msk [tilespmem:v9+s18+$0x0], $0xffff  }
0xa7: {  	s1 =	sadd.s32 $0x30, s0  }
0xa8: {  	s7 =	sor.u32 $0x200, s1;
	[tilespmem:s31+$0x180] =	vst v17;
	s31 =	sadd.s32 $0x10, s0  }
0xa9: {  	s6 =	sadd.s32 $0x20, s0;
	v56 =	vld.idx.msk [tilespmem:v54+s18+$0x0], $0xffff;
	s10 =	sor.u32 $0x200, s31;
	[tilespmem:s7+$0x8400] =	vst v18  }
0xaa: {  	v57 =	vor.u32 $0x280, v1;
	s11 =	sor.u32 $0x200, s6;
	v13 =	vld.idx.msk [tilespmem:v55+s18+$0x0], $0xffff;
	[tilespmem:s10+$0x8400] =	vst v11  }
0xab: {  	v58 =	vor.u32 $0x300, v2;
	v8 =	vld.idx.msk [tilespmem:v8+s18+$0x0], $0xffff;
	[tilespmem:s11+$0x8400] =	vst v9  }
0xac: {  	v7 =	vld.idx.msk [tilespmem:v7+s18+$0x0], $0xffff  }
0xad: {  	[tilespmem:s16+$0x8400] =	vst v14;
	s12 =	sor.u32 $0x200, s0  }
0xae: {  	s13 =	sor.u32 $0x280, s1;
	[tilespmem:s12+$0x8400] =	vst v56  }
0xaf: {  	v0 =	vor.u32 $0x380, v0;
	s14 =	sor.u32 $0x280, s31;
	v59 =	vld.idx.msk [tilespmem:v57+s18+$0x0], $0xffff;
	[tilespmem:s13+$0x8400] =	vst v13  }
0xb0: {  	v60 =	vor.u32 $0x300, v1;
	s15 =	sor.u32 $0x280, s6;
	v11 =	vld.idx.msk [tilespmem:v58+s18+$0x0], $0xffff;
	[tilespmem:s14+$0x8400] =	vst v8  }
0xb1: {  	v61 =	vor.u32 $0x380, v2;
	v6 =	vld.idx.msk [tilespmem:v6+s18+$0x0], $0xffff;
	[tilespmem:s15+$0x8400] =	vst v7  }
0xb2: {  	[tilespmem:s24+$0x8400] =	vst v15;
	v5 =	vld.idx.msk [tilespmem:v5+s18+$0x0], $0xffff  }
0xb3: {  	v3 =	vld.idx.msk [tilespmem:v3+s18+$0x0], $0xffff;
	s16 =	sor.u32 $0x280, s0;
	[tilespmem:s28+$0x8400] =	vst v16  }
0xb4: {  	s23 =	sor.u32 $0x300, s1;
	v0 =	vld.idx.msk [tilespmem:v0+s18+$0x0], $0xffff;
	[tilespmem:s16+$0x8400] =	vst v59  }
0xb5: {  	s24 =	sor.u32 $0x300, s31;
	v62 =	vld.idx.msk [tilespmem:v60+s18+$0x0], $0xffff;
	[tilespmem:s23+$0x8400] =	vst v11  }
0xb6: {  	v63 =	vor.u32 $0x380, v1;
	s25 =	sor.u32 $0x300, s6;
	v2 =	vld.idx.msk [tilespmem:v61+s18+$0x0], $0xffff;
	[tilespmem:s24+$0x8400] =	vst v6  }
0xb7: {  	v4 =	vld.idx.msk [tilespmem:v4+s18+$0x0], $0xffff;
	[tilespmem:s25+$0x8400] =	vst v5  }
0xb8: {  	[tilespmem:s8+$0x8400] =	vst v3;
	v5 =	vld.idx.msk [tilespmem:v10+s18+$0x0], $0xffff  }
0xb9: {  	s0 =	sor.u32 $0x300, s0;
	[tilespmem:s22+$0x8400] =	vst v0  }
0xba: {  	s26 =	sor.u32 $0x380, s1;
	[tilespmem:s0+$0x8400] =	vst v62  }
0xbb: {  	s28 =	sor.u32 $0x380, s31;
	v1 =	vld.idx.msk [tilespmem:v63+s18+$0x0], $0xffff;
	[tilespmem:s26+$0x8400] =	vst v2  }
0xbc: {  	p1 =	sne.s32 s9, $0x7;
	s29 =	sor.u32 $0x380, s6;
	[tilespmem:s28+$0x8400] =	vst v4  }
.Ltmp3:
0xbd: {  	[tilespmem:s29+$0x8400] =	vst v5;
	(pc) =	sbr.rel @p1 .LBB2_6-.Ltmp3, $4  }
0xbe: {  	s0 =	rddreg [dreg:$0x4]  }
0xbf: {  	s30 =	rddreg [dreg:$0x2];
	s6 =	sor.u32 s0, s4  }
0xc0: {  	s31 =	simm.s32 $0x8400;
	[tilespmem:s3+$0x8400] =	vst v1;
	s0 =	sadd.s32 s30, s6  }
0xc1: {  	[hbm4b:s0+s17] =	stream.linear.scatter [tilespmem:s31], [sflag:$0x5], $0x2000, $0x38;
	[tilespmem:$0x10400] =	vst v63  }
.Ltmp4:
0xc2: {  	(pc) =	sbr.rel .LBB2_7-.Ltmp4, $4  }
0xc3: {  	s0 =	simm.s32 $0x2  }
0xc4: {  	_ =	swait.ge [sflag:s0], $0x2000  }
0xc5: {  	[sflag:s0] =	ssyncset.done $0x0  }
0xc6: {  	[sflag:s0] =	ssyncadd.s32 $0xFFFFE000  }
.LBB2_6:
0xc7: {  	s0 =	rddreg [dreg:$0x9]  }
.Ltmp5:
0xc8: {  	s31 =	simm.s32 $0x2;
	s0 =	sadd.s32 s4, s0;
	(pc) =	sbr.rel @p0 .LBB2_8-.Ltmp5, $4  }
0xc9: {  	[tilespmem:s18], [sflag:$0x1] =	stream.linear.gather [hbm4b:s0+s17], $0x2000, $0x38;
	[tilespmem:$0x10400] =	vst v63  }
0xca: {  	_ =	swait.ge [sflag:s31], $0x2000  }
0xcb: {  	[sflag:s31] =	ssyncset.done $0x0  }
0xcc: {  	[sflag:s31] =	ssyncadd.s32 $0xFFFFE000  }
.LBB2_7:
0xcd: {  	s0 =	simm.s32 $0x6  }
0xce: {  	_ =	swait.ge [sflag:s0], $0x2000  }
0xcf: {  	[sflag:s0] =	ssyncset.done $0x0  }
0xd0: {  	[sflag:s0] =	ssyncadd.s32 $0xFFFFE000  }
.LBB2_8:
0xd1: {  	s3 =	simm.s32 $0x0  }
0xd2: {  	s0 =	sand.u32 $0x40, s3  }
0xd3: {  	s1 =	sand.u32 $0x380, s3;
	s2 =	sor.u32 $0x30, s0  }
0xd4: {  	[dreg:$0x12] =	wrdreg s4;
	s5 =	sor.u32 s2, s1  }
0xd5: {  	v0 =	vld [tilespmem:s5+$0x0]  }
0xd6: {  	v1 =	vld [tilespmem:s3+$0x0];
	s26 =	sor.u32 $0x10, s0  }
0xd7: {  	s7 =	sor.u32 $0x20, s0;
	s8 =	sor.u32 s26, s1  }
0xd8: {  	s1 =	sor.u32 s7, s1;
	v2 =	vld [tilespmem:s8+$0x0]  }
0xd9: {  	v3 =	vld [tilespmem:s1+$0x0]  }
0xda: {  	v4 =	vshll.u32 v0, $0x3  }
0xdb: {  	v5 =	vshll.u32 v1, $0x3;
	v0 =	vand.u32 $0x7F, v0;
	v4 =	vand.u32 $0xFFFFFC00, v4  }
0xdc: {  	v1 =	vand.u32 $0x7F, v1;
	v6 =	vand.u32 $0xFFFFFC00, v5;
	v5 =	vor.u32 v0, v4  }
0xdd: {  	v0 =	vor.u32 v1, v6;
	v1 =	vshll.u32 v2, $0x3  }
0xde: {  	v4 =	vshll.u32 v3, $0x3;
	v2 =	vand.u32 $0x7F, v2;
	v1 =	vand.u32 $0xFFFFFC00, v1  }
0xdf: {  	v6 =	vand.u32 $0xFFFFFC00, v4;
	v4 =	vor.u32 v2, v1;
	v1 =	vand.u32 $0x7F, v3  }
0xe0: {  	v3 =	vor.u32 v1, v6  }
0xe1: {  	v1 =	vld.idx.msk [tilespmem:v5+s19+$0x0], $0xffff  }
0xe2: {  	v6 =	vor.u32 $0x80, v5;
	v2 =	vld.idx.msk [tilespmem:v0+s19+$0x0], $0xffff  }
0xe3: {  	s29 =	sand.u32 $0x1C00, s3;
	v7 =	vor.u32 $0x80, v0  }
0xe4: {  	s30 =	sadd.s32 $0xA400, s29;
	v8 =	vld.idx.msk [tilespmem:v4+s19+$0x0], $0xffff  }
0xe5: {  	s10 =	sor.u32 s2, s30;
	v9 =	vor.u32 $0x80, v4;
	v10 =	vld.idx.msk [tilespmem:v3+s19+$0x0], $0xffff  }
0xe6: {  	s1 =	sor.u32 s0, s30;
	v11 =	vor.u32 $0x80, v3;
	[tilespmem:s10+$0x0] =	vst v1  }
0xe7: {  	[tilespmem:s1+$0x0] =	vst v2;
	v1 =	vld.idx.msk [tilespmem:v6+s19+$0x0], $0xffff  }
0xe8: {  	s12 =	sor.u32 s26, s30;
	v2 =	vld.idx.msk [tilespmem:v7+s19+$0x0], $0xffff;
	v6 =	vor.u32 $0x100, v5  }
0xe9: {  	s4 =	sor.u32 s7, s30;
	v7 =	vor.u32 $0x100, v0;
	[tilespmem:s12+$0x0] =	vst v8  }
0xea: {  	v8 =	vld.idx.msk [tilespmem:v9+s19+$0x0], $0xffff;
	[tilespmem:s4+$0x0] =	vst v10  }
0xeb: {  	v9 =	vor.u32 $0x100, v4;
	v10 =	vld.idx.msk [tilespmem:v11+s19+$0x0], $0xffff  }
0xec: {  	v11 =	vor.u32 $0x100, v3;
	[tilespmem:s10+$0x80] =	vst v1  }
0xed: {  	[tilespmem:s1+$0x80] =	vst v2;
	v1 =	vld.idx.msk [tilespmem:v6+s19+$0x0], $0xffff  }
0xee: {  	v2 =	vld.idx.msk [tilespmem:v7+s19+$0x0], $0xffff;
	v6 =	vor.u32 $0x180, v5  }
0xef: {  	v7 =	vor.u32 $0x180, v0;
	[tilespmem:s12+$0x80] =	vst v8  }
0xf0: {  	v8 =	vld.idx.msk [tilespmem:v9+s19+$0x0], $0xffff;
	[tilespmem:s4+$0x80] =	vst v10  }
0xf1: {  	s22 =	simm.s32 $0x40;
	v9 =	vor.u32 $0x180, v4;
	v10 =	vld.idx.msk [tilespmem:v11+s19+$0x0], $0xffff  }
0xf2: {  	s5 =	sand.u32 $0x40, s22;
	v11 =	vld [tilespmem:s22+$0x0];
	[tilespmem:s10+$0x100] =	vst v1  }
0xf3: {  	s15 =	sand.u32 $0x380, s22;
	s11 =	sor.u32 $0x30, s5;
	[tilespmem:s1+$0x100] =	vst v2;
	v1 =	vld.idx.msk [tilespmem:v6+s19+$0x0], $0xffff  }
0xf4: {  	s16 =	sor.u32 s11, s15;
	v2 =	vor.u32 $0x180, v3;
	v6 =	vld.idx.msk [tilespmem:v7+s19+$0x0], $0xffff  }
0xf5: {  	s23 =	sor.u32 $0x10, s5;
	v7 =	vor.u32 $0x200, v5;
	[tilespmem:s12+$0x100] =	vst v8;
	v8 =	vld [tilespmem:s16+$0x0]  }
0xf6: {  	s24 =	sor.u32 $0x20, s5;
	s13 =	sor.u32 s23, s15;
	v9 =	vld.idx.msk [tilespmem:v9+s19+$0x0], $0xffff  }
0xf7: {  	s8 =	sor.u32 s24, s15;
	v13 =	vld [tilespmem:s13+$0x0];
	v12 =	vor.u32 $0x200, v4;
	v14 =	vshll.u32 v11, $0x3  }
0xf8: {  	v15 =	vld [tilespmem:s8+$0x0];
	[tilespmem:s4+$0x100] =	vst v10;
	v10 =	vor.u32 $0x200, v0;
	v11 =	vand.u32 $0x7F, v11;
	v14 =	vand.u32 $0xFFFFFC00, v14  }
0xf9: {  	p2 =	por $0x0, $0x0;
	s8 =	simm.s32 $0x1;
	v16 =	vld.idx.msk [tilespmem:v2+s19+$0x0], $0xffff;
	[tilespmem:s10+$0x180] =	vst v1;
	v1 =	vor.u32 v11, v14  }
0xfa: {  	s8 =	simm.s32 @!p2 $0x0;
	v11 =	vor.u32 $0x200, v3;
	v7 =	vld.idx.msk [tilespmem:v7+s19+$0x0], $0xffff;
	v2 =	vshll.u32 v8, $0x3  }
0xfb: {  	s8 =	sshll.u32 s8, $0x6;
	v8 =	vand.u32 $0x7F, v8;
	[tilespmem:s12+$0x180] =	vst v9;
	v2 =	vand.u32 $0xFFFFFC00, v2;
	v9 =	vor.u32 $0x280, v5  }
0xfc: {  	v14 =	vor.u32 $0x280, v4;
	[tilespmem:s1+$0x180] =	vst v6;
	s10 =	sadd.s32 $0x0, s8;
	v6 =	vld.idx.msk [tilespmem:v12+s19+$0x0], $0xffff;
	v12 =	vshll.u32 v13, $0x3;
	v2 =	vor.u32 v8, v2  }
0xfd: {  	s1 =	sadd.s32 $0x30, s10;
	v8 =	vld.idx.msk [tilespmem:v10+s19+$0x0], $0xffff;
	v10 =	vshll.u32 v15, $0x3;
	v13 =	vand.u32 $0x7F, v13;
	v12 =	vand.u32 $0xFFFFFC00, v12  }
0xfe: {  	s25 =	sor.u32 $0x200, s1;
	v10 =	vand.u32 $0xFFFFFC00, v10;
	[tilespmem:s4+$0x180] =	vst v16;
	v17 =	vld.idx.msk [tilespmem:v1+s19+$0x0], $0xffff;
	v21 =	vor.u32 v13, v12;
	v12 =	vand.u32 $0x7F, v15  }
0xff: {  	s13 =	sadd.s32 $0x10, s10;
	v11 =	vld.idx.msk [tilespmem:v11+s19+$0x0], $0xffff;
	v10 =	vor.u32 v12, v10;
	[tilespmem:s25+$0xA400] =	vst v7  }
0x100: {  	s26 =	sor.u32 $0x200, s13;
	v7 =	vor.u32 $0x280, v0;
	v9 =	vld.idx.msk [tilespmem:v9+s19+$0x0], $0xffff  }
0x101: {  	s8 =	simm.s32 $0x200;
	s29 =	sor.u32 $0x200, s10;
	v12 =	vor.u32 $0x280, v3;
	v13 =	vld.idx.msk [tilespmem:v2+s19+$0x0], $0xffff;
	[tilespmem:s26+$0xA400] =	vst v6  }
0x102: {  	s15 =	sadd.s32 $0x20, s10;
	s4 =	sand.u32 $0x1C00, s8;
	[tilespmem:s29+$0xA400] =	vst v8;
	v8 =	vor.u32 $0x80, v1;
	v6 =	vld.idx.msk [tilespmem:v14+s19+$0x0], $0xffff  }
0x103: {  	s30 =	sor.u32 $0x200, s15;
	s0 =	sadd.s32 $0xA400, s4;
	v14 =	vor.u32 $0x300, v5;
	v15 =	vld.idx.msk [tilespmem:v21+s19+$0x0], $0xffff  }
0x104: {  	v16 =	vor.u32 $0x80, v2;
	s2 =	sor.u32 s5, s0;
	[tilespmem:s30+$0xA400] =	vst v11;
	v18 =	vld.idx.msk [tilespmem:v10+s19+$0x0], $0xffff  }
0x105: {  	s14 =	sor.u32 $0x280, s1;
	v19 =	vor.u32 $0x80, v21;
	[tilespmem:s2+$0x0] =	vst v17;
	v22 =	vld.idx.msk [tilespmem:v7+s19+$0x0], $0xffff  }
0x106: {  	s11 =	sor.u32 s11, s0;
	v7 =	vor.u32 $0x80, v10;
	v11 =	vld.idx.msk [tilespmem:v12+s19+$0x0], $0xffff;
	[tilespmem:s14+$0xA400] =	vst v9  }
0x107: {  	s16 =	sor.u32 $0x280, s13;
	v9 =	vor.u32 $0x300, v4;
	[tilespmem:s11+$0x0] =	vst v13;
	v8 =	vld.idx.msk [tilespmem:v8+s19+$0x0], $0xffff  }
0x108: {  	s5 =	sor.u32 s23, s0;
	v13 =	vor.u32 $0x300, v3;
	v12 =	vld.idx.msk [tilespmem:v14+s19+$0x0], $0xffff;
	[tilespmem:s16+$0xA400] =	vst v6  }
0x109: {  	v5 =	vor.u32 $0x380, v5;
	s14 =	sor.u32 s24, s0;
	v16 =	vld.idx.msk [tilespmem:v16+s19+$0x0], $0xffff;
	[tilespmem:s5+$0x0] =	vst v15  }
0x10a: {  	s23 =	sor.u32 $0x280, s15;
	v17 =	vor.u32 $0x100, v2;
	v15 =	vld.idx.msk [tilespmem:v19+s19+$0x0], $0xffff;
	[tilespmem:s14+$0x0] =	vst v18  }
0x10b: {  	s26 =	sor.u32 $0x280, s10;
	v19 =	vor.u32 $0x100, v1;
	[tilespmem:s23+$0xA400] =	vst v11;
	v7 =	vld.idx.msk [tilespmem:v7+s19+$0x0], $0xffff  }
0x10c: {  	s24 =	sor.u32 $0x300, s1;
	v6 =	vor.u32 $0x100, v21;
	[tilespmem:s26+$0xA400] =	vst v22;
	v23 =	vld.idx.msk [tilespmem:v9+s19+$0x0], $0xffff  }
0x10d: {  	v20 =	vor.u32 $0x100, v10;
	v14 =	vld.idx.msk [tilespmem:v13+s19+$0x0], $0xffff;
	[tilespmem:s24+$0xA400] =	vst v12  }
0x10e: {  	[tilespmem:s11+$0x80] =	vst v16;
	v16 =	vor.u32 $0x300, v0;
	v24 =	vld.idx.msk [tilespmem:v5+s19+$0x0], $0xffff  }
0x10f: {  	v25 =	vor.u32 $0x380, v4;
	[tilespmem:s2+$0x80] =	vst v8;
	v18 =	vld.idx.msk [tilespmem:v17+s19+$0x0], $0xffff  }
0x110: {  	v4 =	vor.u32 $0x380, v21;
	v17 =	vld.idx.msk [tilespmem:v19+s19+$0x0], $0xffff;
	[tilespmem:s5+$0x80] =	vst v15  }
0x111: {  	s28 =	sor.u32 $0x300, s10;
	s12 =	simm.s32 $0x4;
	s31 =	sor.u32 $0x380, s13;
	v11 =	vor.u32 $0x200, v21;
	v22 =	vor.u32 $0x180, v2;
	v13 =	vor.u32 $0x180, v21;
	v19 =	vld.idx.msk [tilespmem:v6+s19+$0x0], $0xffff;
	[tilespmem:s14+$0x80] =	vst v7  }
0x112: {  	s25 =	sor.u32 s3, s3;
	s3 =	sor.u32 $0x380, s15;
	s29 =	sor.u32 $0x300, s13;
	v8 =	vor.u32 $0x280, v21;
	v6 =	vor.u32 $0x300, v21;
	v21 =	vor.u32 $0x180, v1;
	v20 =	vld.idx.msk [tilespmem:v20+s19+$0x0], $0xffff  }
0x113: {  	s7 =	sor.u32 $0x380, s25;
	s30 =	sor.u32 s8, s22;
	s1 =	sor.u32 $0x380, s1;
	v3 =	vor.u32 $0x380, v3;
	v9 =	vor.u32 $0x200, v10;
	v12 =	vor.u32 $0x180, v10;
	[tilespmem:s29+$0xA400] =	vst v23;
	v15 =	vld.idx.msk [tilespmem:v16+s19+$0x0], $0xffff  }
0x114: {  	s10 =	sor.u32 $0x380, s30;
	s16 =	sor.u32 $0x300, s15;
	s24 =	simm.s32 $0x80;
	v5 =	vor.u32 $0x300, v10;
	v7 =	vor.u32 $0x280, v10;
	v10 =	vor.u32 $0x380, v10;
	v16 =	vld.idx.msk [tilespmem:v25+s19+$0x0], $0xffff;
	[tilespmem:s1+$0xA400] =	vst v24  }
.LBB2_9:
0x115: {  	v23 =	vld [tilespmem:s24+$0x0];
	[tilespmem:s11+$0x100] =	vst v18;
	s22 =	sadd.s32 $0x40, s22  }
0x116: {  	s12 =	sadd.s32 $0x4, s12;
	s13 =	sand.u32 $0x40, s22;
	[tilespmem:s2+$0x100] =	vst v17;
	v17 =	vld.idx.msk [tilespmem:v22+s19+$0x0], $0xffff  }
0x117: {  	s0 =	sand.u32 $0x380, s22;
	p3 =	slt.u32 s12, $0x3C;
	s15 =	sor.u32 $0x30, s13;
	v18 =	vld.idx.msk [tilespmem:v21+s19+$0x0], $0xffff;
	[tilespmem:s5+$0x100] =	vst v19  }
0x118: {  	s30 =	sor.u32 $0x10, s13;
	s26 =	sor.u32 $0x20, s13;
	v19 =	vor.u32 $0x200, v2;
	s1 =	sor.u32 s15, s0;
	v13 =	vld.idx.msk [tilespmem:v13+s19+$0x0], $0xffff;
	[tilespmem:s14+$0x100] =	vst v20  }
0x119: {  	v21 =	vor.u32 $0x200, v1;
	s23 =	sor.u32 s30, s0;
	s0 =	sor.u32 s26, s0;
	v20 =	vld [tilespmem:s1+$0x0];
	[tilespmem:s16+$0xA400] =	vst v14  }
0x11a: {  	v14 =	vld [tilespmem:s23+$0x0];
	[tilespmem:s28+$0xA400] =	vst v15  }
0x11b: {  	v15 =	vshll.u32 v23, $0x3;
	v22 =	vld [tilespmem:s0+$0x0];
	[tilespmem:s31+$0xA400] =	vst v16  }
0x11c: {  	v16 =	vand.u32 $0x7F, v23;
	v15 =	vand.u32 $0xFFFFFC00, v15;
	v12 =	vld.idx.msk [tilespmem:v12+s19+$0x0], $0xffff;
	[tilespmem:s11+$0x180] =	vst v17;
	v17 =	vor.u32 $0x380, v0;
	v0 =	vmovc v1  }
0x11d: {  	p2 =	por !p2, !p2;
	s0 =	simm.s32 $0x1;
	v1 =	vor.u32 v16, v15;
	[tilespmem:s2+$0x180] =	vst v18;
	v15 =	vld.idx.msk [tilespmem:v19+s19+$0x0], $0xffff  }
0x11e: {  	s0 =	simm.s32 @!p2 $0x0;
	v16 =	vshll.u32 v20, $0x3;
	v18 =	vld.idx.msk [tilespmem:v21+s19+$0x0], $0xffff;
	[tilespmem:s5+$0x180] =	vst v13  }
0x11f: {  	s0 =	sshll.u32 s0, $0x6;
	v13 =	vand.u32 $0x7F, v20;
	v16 =	vand.u32 $0xFFFFFC00, v16;
	v19 =	vld.idx.msk [tilespmem:v11+s19+$0x0], $0xffff;
	v11 =	vor.u32 $0x280, v2  }
0x120: {  	s2 =	sadd.s32 s0, s8;
	v20 =	vshll.u32 v14, $0x3;
	v21 =	vshll.u32 v22, $0x3;
	v16 =	vor.u32 v13, v16;
	v23 =	vld.idx.msk [tilespmem:v3+s19+$0x0], $0xffff;
	v3 =	vmovc v10  }
0x121: {  	s5 =	sadd.s32 $0x10, s2;
	s11 =	sadd.s32 $0x20, s2;
	s1 =	sadd.s32 $0x30, s2;
	v10 =	vand.u32 $0x7F, v14;
	v13 =	vand.u32 $0xFFFFFC00, v20;
	v14 =	vand.u32 $0xFFFFFC00, v21;
	v17 =	vld.idx.msk [tilespmem:v17+s19+$0x0], $0xffff  }
0x122: {  	s31 =	sor.u32 $0x200, s5;
	s16 =	sor.u32 $0x200, s1;
	v10 =	vor.u32 v10, v13;
	v13 =	vand.u32 $0x7F, v22;
	v21 =	vor.u32 $0x280, v0;
	v20 =	vld.idx.msk [tilespmem:v1+s19+$0x0], $0xffff;
	[tilespmem:s14+$0x180] =	vst v12;
	s14 =	sor.u32 $0x200, s11  }
0x123: {  	s23 =	sor.u32 $0x200, s2;
	s0 =	sor.u32 $0x280, s5;
	s29 =	sor.u32 $0x280, s11;
	v22 =	vor.u32 $0x80, v10;
	v24 =	vor.u32 $0x100, v10;
	v14 =	vor.u32 v13, v14;
	v25 =	vld.idx.msk [tilespmem:v9+s19+$0x0], $0xffff;
	[tilespmem:s16+$0xA400] =	vst v15  }
0x124: {  	s25 =	sor.u32 $0x280, s2;
	v13 =	vor.u32 $0x180, v10;
	v15 =	vor.u32 $0x80, v14;
	v26 =	vor.u32 $0x100, v14;
	s16 =	sor.u32 $0x300, s11;
	[tilespmem:s23+$0xA400] =	vst v18;
	s23 =	sor.u32 $0x300, s5;
	v18 =	vld.idx.msk [tilespmem:v11+s19+$0x0], $0xffff  }
0x125: {  	s28 =	sor.u32 $0x300, s2;
	s2 =	sor.u32 $0x380, s11;
	v12 =	vor.u32 $0x180, v14;
	v9 =	vor.u32 $0x200, v14;
	v11 =	vor.u32 $0x200, v10;
	v27 =	vld.idx.msk [tilespmem:v16+s19+$0x0], $0xffff;
	[tilespmem:s31+$0xA400] =	vst v19;
	s31 =	sor.u32 $0x380, s5  }
0x126: {  	v29 =	vor.u32 $0x300, v2;
	v19 =	vor.u32 $0x280, v14;
	v28 =	vld.idx.msk [tilespmem:v8+s19+$0x0], $0xffff;
	v8 =	vor.u32 $0x280, v10;
	[tilespmem:s3+$0xA400] =	vst v23;
	s3 =	smov.u32 s2  }
0x127: {  	s8 =	sadd.s32 $0x200, s8;
	v32 =	vor.u32 $0x80, v16;
	v30 =	vor.u32 $0x300, v10;
	v31 =	vor.u32 $0x300, v14;
	v23 =	vld.idx.msk [tilespmem:v10+s19+$0x0], $0xffff;
	[tilespmem:s7+$0xA400] =	vst v17;
	s7 =	smov.u32 s10  }
0x128: {  	v33 =	vor.u32 $0x380, v10;
	s5 =	sor.u32 s8, s22;
	s2 =	sand.u32 $0x1C00, s8;
	v17 =	vor.u32 $0x80, v1;
	v10 =	vor.u32 $0x380, v14;
	v34 =	vld.idx.msk [tilespmem:v14+s19+$0x0], $0xffff  }
0x129: {  	s4 =	sadd.s32 $0xA400, s2;
	s10 =	sor.u32 $0x380, s5;
	v35 =	vld.idx.msk [tilespmem:v21+s19+$0x0], $0xffff;
	[tilespmem:s14+$0xA400] =	vst v25;
	s14 =	sor.u32 $0x280, s1  }
0x12a: {  	s2 =	sor.u32 s13, s4;
	s5 =	sor.u32 s30, s4;
	s11 =	sor.u32 s15, s4;
	v14 =	vld.idx.msk [tilespmem:v7+s19+$0x0], $0xffff;
	[tilespmem:s14+$0xA400] =	vst v18;
	v7 =	vmov v19  }
0x12b: {  	s14 =	sor.u32 s26, s4;
	[tilespmem:s11+$0x0] =	vst v27;
	v18 =	vld.idx.msk [tilespmem:v29+s19+$0x0], $0xffff  }
0x12c: {  	[tilespmem:s2+$0x0] =	vst v20;
	v19 =	vld.idx.msk [tilespmem:v32+s19+$0x0], $0xffff  }
0x12d: {  	v20 =	vor.u32 $0x380, v2;
	v2 =	vmov v16;
	v17 =	vld.idx.msk [tilespmem:v17+s19+$0x0], $0xffff;
	[tilespmem:s5+$0x0] =	vst v23  }
0x12e: {  	v21 =	vor.u32 $0x100, v2;
	v16 =	vld.idx.msk [tilespmem:v22+s19+$0x0], $0xffff;
	[tilespmem:s14+$0x0] =	vst v34  }
0x12f: {  	v22 =	vor.u32 $0x100, v1;
	v15 =	vld.idx.msk [tilespmem:v15+s19+$0x0], $0xffff;
	[tilespmem:s0+$0xA400] =	vst v28  }
0x130: {  	s0 =	sor.u32 $0x300, s1;
	v23 =	vld.idx.msk [tilespmem:v6+s19+$0x0], $0xffff;
	[tilespmem:s29+$0xA400] =	vst v14;
	v6 =	vmov v30  }
0x131: {  	v14 =	vld.idx.msk [tilespmem:v5+s19+$0x0], $0xffff;
	[tilespmem:s0+$0xA400] =	vst v18;
	v5 =	vmov v31  }
0x132: {  	v25 =	vor.u32 $0x300, v0;
	[tilespmem:s11+$0x80] =	vst v19;
	v27 =	vld.idx.msk [tilespmem:v20+s19+$0x0], $0xffff  }
0x133: {  	[tilespmem:s2+$0x80] =	vst v17;
	v18 =	vld.idx.msk [tilespmem:v21+s19+$0x0], $0xffff  }
.Ltmp6:
0x134: {  	v17 =	vld.idx.msk [tilespmem:v22+s19+$0x0], $0xffff;
	[tilespmem:s5+$0x80] =	vst v16;
	(pc) =	sbr.rel @p3 .LBB2_9-.Ltmp6, $4  }
0x135: {  	v22 =	vor.u32 $0x180, v2;
	v19 =	vld.idx.msk [tilespmem:v24+s19+$0x0], $0xffff;
	[tilespmem:s14+$0x80] =	vst v15  }
0x136: {  	v21 =	vor.u32 $0x180, v1;
	v20 =	vld.idx.msk [tilespmem:v26+s19+$0x0], $0xffff;
	[tilespmem:s25+$0xA400] =	vst v35  }
0x137: {  	s0 =	sor.u32 $0x380, s1;
	v15 =	vld.idx.msk [tilespmem:v25+s19+$0x0], $0xffff;
	[tilespmem:s23+$0xA400] =	vst v23  }
0x138: {  	s24 =	sadd.s32 $0x40, s24;
	v16 =	vld.idx.msk [tilespmem:v4+s19+$0x0], $0xffff;
	[tilespmem:s0+$0xA400] =	vst v27;
	v4 =	vmov v33  }
0x139: {  	_ =	sdelay $0x2  }
0x13a: {  	[tilespmem:s11+$0x100] =	vst v18  }
0x13b: {  	[tilespmem:s2+$0x100] =	vst v17;
	v18 =	vld.idx.msk [tilespmem:v22+s19+$0x0], $0xffff  }
0x13c: {  	v53 =	vor.u32 $0x200, v2;
	[tilespmem:s5+$0x100] =	vst v19;
	v17 =	vld.idx.msk [tilespmem:v21+s19+$0x0], $0xffff  }
0x13d: {  	v54 =	vor.u32 $0x200, v1;
	v13 =	vld.idx.msk [tilespmem:v13+s19+$0x0], $0xffff;
	[tilespmem:s14+$0x100] =	vst v20  }
0x13e: {  	v12 =	vld.idx.msk [tilespmem:v12+s19+$0x0], $0xffff;
	_ =	sdelay $0x1  }
0x13f: {  	p2 =	por !p2, !p2;
	s0 =	simm.s32 $0x1;
	[tilespmem:s11+$0x180] =	vst v18  }
0x140: {  	s0 =	simm.s32 @!p2 $0x0;
	[tilespmem:s2+$0x180] =	vst v17;
	v18 =	vld.idx.msk [tilespmem:v53+s19+$0x0], $0xffff  }
0x141: {  	v55 =	vor.u32 $0x280, v2;
	s0 =	sshll.u32 s0, $0x6;
	[tilespmem:s5+$0x180] =	vst v13;
	v56 =	vld.idx.msk [tilespmem:v54+s19+$0x0], $0xffff  }
0x142: {  	v57 =	vor.u32 $0x280, v1;
	s0 =	sadd.s32 s0, s8;
	v11 =	vld.idx.msk [tilespmem:v11+s19+$0x0], $0xffff;
	[tilespmem:s14+$0x180] =	vst v12  }
0x143: {  	s1 =	sadd.s32 $0x30, s0;
	v9 =	vld.idx.msk [tilespmem:v9+s19+$0x0], $0xffff  }
0x144: {  	s4 =	sor.u32 $0x200, s1  }
0x145: {  	s5 =	sadd.s32 $0x10, s0;
	s14 =	sor.u32 $0x200, s0;
	[tilespmem:s4+$0xA400] =	vst v18  }
0x146: {  	s11 =	sadd.s32 $0x20, s0;
	s12 =	sor.u32 $0x200, s5;
	[tilespmem:s14+$0xA400] =	vst v56;
	v13 =	vld.idx.msk [tilespmem:v55+s19+$0x0], $0xffff  }
0x147: {  	v58 =	vor.u32 $0x300, v2;
	s13 =	sor.u32 $0x200, s11;
	[tilespmem:s12+$0xA400] =	vst v11;
	v59 =	vld.idx.msk [tilespmem:v57+s19+$0x0], $0xffff  }
0x148: {  	v60 =	vor.u32 $0x300, v1;
	v8 =	vld.idx.msk [tilespmem:v8+s19+$0x0], $0xffff;
	[tilespmem:s13+$0xA400] =	vst v9  }
0x149: {  	v7 =	vld.idx.msk [tilespmem:v7+s19+$0x0], $0xffff  }
0x14a: {  	[tilespmem:s16+$0xA400] =	vst v14;
	s15 =	sor.u32 $0x280, s1  }
0x14b: {  	s23 =	sor.u32 $0x280, s0;
	[tilespmem:s15+$0xA400] =	vst v13  }
0x14c: {  	v0 =	vor.u32 $0x380, v0;
	s16 =	sor.u32 $0x280, s5;
	[tilespmem:s23+$0xA400] =	vst v59;
	v11 =	vld.idx.msk [tilespmem:v58+s19+$0x0], $0xffff  }
0x14d: {  	v61 =	vor.u32 $0x380, v2;
	s22 =	sor.u32 $0x280, s11;
	[tilespmem:s16+$0xA400] =	vst v8;
	v62 =	vld.idx.msk [tilespmem:v60+s19+$0x0], $0xffff  }
0x14e: {  	v63 =	vor.u32 $0x380, v1;
	v6 =	vld.idx.msk [tilespmem:v6+s19+$0x0], $0xffff;
	[tilespmem:s22+$0xA400] =	vst v7  }
0x14f: {  	[tilespmem:s28+$0xA400] =	vst v15;
	v5 =	vld.idx.msk [tilespmem:v5+s19+$0x0], $0xffff  }
0x150: {  	v3 =	vld.idx.msk [tilespmem:v3+s19+$0x0], $0xffff;
	[tilespmem:s31+$0xA400] =	vst v16;
	s24 =	sor.u32 $0x300, s1  }
0x151: {  	v0 =	vld.idx.msk [tilespmem:v0+s19+$0x0], $0xffff;
	s0 =	sor.u32 $0x300, s0;
	[tilespmem:s24+$0xA400] =	vst v11  }
0x152: {  	s25 =	sor.u32 $0x300, s5;
	[tilespmem:s0+$0xA400] =	vst v62;
	v2 =	vld.idx.msk [tilespmem:v61+s19+$0x0], $0xffff  }
0x153: {  	s26 =	sor.u32 $0x300, s11;
	[tilespmem:s25+$0xA400] =	vst v6;
	v1 =	vld.idx.msk [tilespmem:v63+s19+$0x0], $0xffff  }
0x154: {  	v4 =	vld.idx.msk [tilespmem:v4+s19+$0x0], $0xffff;
	[tilespmem:s26+$0xA400] =	vst v5  }
0x155: {  	[tilespmem:s3+$0xA400] =	vst v3;
	v5 =	vld.idx.msk [tilespmem:v10+s19+$0x0], $0xffff  }
0x156: {  	s28 =	sor.u32 $0x380, s1;
	[tilespmem:s7+$0xA400] =	vst v0  }
0x157: {  	[tilespmem:s28+$0xA400] =	vst v2  }
0x158: {  	s29 =	sor.u32 $0x380, s5;
	[tilespmem:s10+$0xA400] =	vst v1  }
.Ltmp7:
0x159: {  	s30 =	sor.u32 $0x380, s11;
	[tilespmem:s29+$0xA400] =	vst v4;
	(pc) =	sbr.rel @p1 .LBB2_12-.Ltmp7, $4  }
0x15a: {  	[tilespmem:s30+$0xA400] =	vst v5  }
0x15b: {  	s0 =	rddreg [dreg:$0xa]  }
0x15c: {  	s31 =	simm.s32 $0xA400;
	s0 =	sadd.s32 s6, s0  }
0x15d: {  	[hbm4b:s0+s17] =	stream.linear.scatter [tilespmem:s31], [sflag:$0x6], $0x2000, $0x38;
	[tilespmem:$0x10400] =	vst v63  }
.Ltmp8:
0x15e: {  	(pc) =	sbr.rel .LBB2_13-.Ltmp8, $4  }
0x15f: {  	s0 =	simm.s32 $0x3  }
0x160: {  	_ =	swait.ge [sflag:s0], $0x2000  }
0x161: {  	[sflag:s0] =	ssyncset.done $0x0  }
0x162: {  	[sflag:s0] =	ssyncadd.s32 $0xFFFFE000  }
.LBB2_12:
0x163: {  	s0 =	rddreg [dreg:$0xb]  }
0x164: {  	s1 =	rddreg [dreg:$0x12]  }
.Ltmp9:
0x165: {  	s31 =	simm.s32 $0x3;
	s0 =	sadd.s32 s1, s0;
	(pc) =	sbr.rel @p0 .LBB2_14-.Ltmp9, $4  }
0x166: {  	[tilespmem:s19], [sflag:$0x2] =	stream.linear.gather [hbm4b:s0+s17], $0x2000, $0x38;
	[tilespmem:$0x10400] =	vst v63  }
0x167: {  	_ =	swait.ge [sflag:s31], $0x2000  }
0x168: {  	[sflag:s31] =	ssyncset.done $0x0  }
0x169: {  	[sflag:s31] =	ssyncadd.s32 $0xFFFFE000  }
.LBB2_13:
0x16a: {  	s0 =	simm.s32 $0x7  }
0x16b: {  	_ =	swait.ge [sflag:s0], $0x2000  }
0x16c: {  	[sflag:s0] =	ssyncset.done $0x0  }
0x16d: {  	[sflag:s0] =	ssyncadd.s32 $0xFFFFE000  }
.LBB2_14:
0x16e: {  	s3 =	simm.s32 $0x0  }
0x16f: {  	s0 =	sand.u32 $0x40, s3  }
0x170: {  	s1 =	sand.u32 $0x380, s3;
	s2 =	sor.u32 $0x30, s0  }
0x171: {  	s4 =	sor.u32 s2, s1  }
0x172: {  	v0 =	vld [tilespmem:s4+$0x0]  }
0x173: {  	v1 =	vld [tilespmem:s3+$0x0];
	s13 =	sor.u32 $0x10, s0  }
0x174: {  	s5 =	sor.u32 $0x20, s0;
	s7 =	sor.u32 s13, s1  }
0x175: {  	s1 =	sor.u32 s5, s1;
	v2 =	vld [tilespmem:s7+$0x0]  }
0x176: {  	v3 =	vld [tilespmem:s1+$0x0]  }
0x177: {  	v4 =	vshll.u32 v0, $0x3  }
0x178: {  	v5 =	vshll.u32 v1, $0x3;
	v0 =	vand.u32 $0x7F, v0;
	v4 =	vand.u32 $0xFFFFFC00, v4  }
0x179: {  	v1 =	vand.u32 $0x7F, v1;
	v6 =	vand.u32 $0xFFFFFC00, v5;
	v5 =	vor.u32 v0, v4  }
0x17a: {  	v0 =	vor.u32 v1, v6;
	v1 =	vshll.u32 v2, $0x3  }
0x17b: {  	v4 =	vshll.u32 v3, $0x3;
	v2 =	vand.u32 $0x7F, v2;
	v1 =	vand.u32 $0xFFFFFC00, v1  }
0x17c: {  	v6 =	vand.u32 $0xFFFFFC00, v4;
	v4 =	vor.u32 v2, v1;
	v1 =	vand.u32 $0x7F, v3  }
0x17d: {  	v3 =	vor.u32 v1, v6  }
0x17e: {  	v1 =	vld.idx.msk [tilespmem:v5+s20+$0x0], $0xffff  }
0x17f: {  	v6 =	vor.u32 $0x80, v5;
	v2 =	vld.idx.msk [tilespmem:v0+s20+$0x0], $0xffff  }
0x180: {  	s14 =	sand.u32 $0x1C00, s3;
	v7 =	vor.u32 $0x80, v0  }
0x181: {  	s15 =	sadd.s32 $0xC400, s14;
	v8 =	vld.idx.msk [tilespmem:v4+s20+$0x0], $0xffff  }
0x182: {  	s8 =	sor.u32 s2, s15;
	v9 =	vor.u32 $0x80, v4;
	v10 =	vld.idx.msk [tilespmem:v3+s20+$0x0], $0xffff  }
0x183: {  	s1 =	sor.u32 s0, s15;
	v11 =	vor.u32 $0x80, v3;
	[tilespmem:s8+$0x0] =	vst v1  }
0x184: {  	[tilespmem:s1+$0x0] =	vst v2;
	v1 =	vld.idx.msk [tilespmem:v6+s20+$0x0], $0xffff  }
0x185: {  	s4 =	sor.u32 s13, s15;
	v2 =	vld.idx.msk [tilespmem:v7+s20+$0x0], $0xffff;
	v6 =	vor.u32 $0x100, v5  }
0x186: {  	s16 =	sor.u32 s5, s15;
	v7 =	vor.u32 $0x100, v0;
	[tilespmem:s4+$0x0] =	vst v8  }
0x187: {  	v8 =	vld.idx.msk [tilespmem:v9+s20+$0x0], $0xffff;
	[tilespmem:s16+$0x0] =	vst v10  }
0x188: {  	v9 =	vor.u32 $0x100, v4;
	v10 =	vld.idx.msk [tilespmem:v11+s20+$0x0], $0xffff  }
0x189: {  	v11 =	vor.u32 $0x100, v3;
	[tilespmem:s8+$0x80] =	vst v1  }
0x18a: {  	[tilespmem:s1+$0x80] =	vst v2;
	v1 =	vld.idx.msk [tilespmem:v6+s20+$0x0], $0xffff  }
0x18b: {  	v2 =	vld.idx.msk [tilespmem:v7+s20+$0x0], $0xffff;
	v6 =	vor.u32 $0x180, v5  }
0x18c: {  	v7 =	vor.u32 $0x180, v0;
	[tilespmem:s4+$0x80] =	vst v8  }
0x18d: {  	v8 =	vld.idx.msk [tilespmem:v9+s20+$0x0], $0xffff;
	[tilespmem:s16+$0x80] =	vst v10  }
0x18e: {  	s22 =	simm.s32 $0x40;
	v9 =	vor.u32 $0x180, v4;
	v10 =	vld.idx.msk [tilespmem:v11+s20+$0x0], $0xffff  }
0x18f: {  	s17 =	sand.u32 $0x40, s22;
	v11 =	vld [tilespmem:s22+$0x0];
	[tilespmem:s8+$0x100] =	vst v1  }
0x190: {  	s10 =	sand.u32 $0x380, s22;
	s11 =	sor.u32 $0x30, s17;
	[tilespmem:s1+$0x100] =	vst v2;
	v1 =	vld.idx.msk [tilespmem:v6+s20+$0x0], $0xffff  }
0x191: {  	s23 =	sor.u32 s11, s10;
	v2 =	vor.u32 $0x180, v3;
	v6 =	vld.idx.msk [tilespmem:v7+s20+$0x0], $0xffff  }
0x192: {  	s24 =	sor.u32 $0x10, s17;
	v7 =	vor.u32 $0x200, v5;
	[tilespmem:s4+$0x100] =	vst v8;
	v8 =	vld [tilespmem:s23+$0x0]  }
0x193: {  	s25 =	sor.u32 $0x20, s17;
	s12 =	sor.u32 s24, s10;
	v9 =	vld.idx.msk [tilespmem:v9+s20+$0x0], $0xffff  }
0x194: {  	s10 =	sor.u32 s25, s10;
	v13 =	vld [tilespmem:s12+$0x0];
	v12 =	vor.u32 $0x200, v4;
	v14 =	vshll.u32 v11, $0x3  }
0x195: {  	v15 =	vld [tilespmem:s10+$0x0];
	[tilespmem:s16+$0x100] =	vst v10;
	v10 =	vor.u32 $0x200, v0;
	v11 =	vand.u32 $0x7F, v11;
	v14 =	vand.u32 $0xFFFFFC00, v14  }
0x196: {  	p2 =	por $0x0, $0x0;
	v16 =	vld.idx.msk [tilespmem:v2+s20+$0x0], $0xffff;
	[tilespmem:s8+$0x180] =	vst v1;
	v1 =	vor.u32 v11, v14;
	s8 =	simm.s32 $0x1  }
0x197: {  	v11 =	vor.u32 $0x200, v3;
	v7 =	vld.idx.msk [tilespmem:v7+s20+$0x0], $0xffff;
	v2 =	vshll.u32 v8, $0x3;
	s8 =	simm.s32 @!p2 $0x0  }
0x198: {  	v8 =	vand.u32 $0x7F, v8;
	[tilespmem:s4+$0x180] =	vst v9;
	v2 =	vand.u32 $0xFFFFFC00, v2;
	s26 =	sshll.u32 s8, $0x6;
	v9 =	vor.u32 $0x280, v5  }
0x199: {  	v14 =	vor.u32 $0x280, v4;
	[tilespmem:s1+$0x180] =	vst v6;
	v6 =	vld.idx.msk [tilespmem:v12+s20+$0x0], $0xffff;
	v12 =	vshll.u32 v13, $0x3;
	v2 =	vor.u32 v8, v2;
	s10 =	sadd.s32 $0x0, s26  }
0x19a: {  	v8 =	vld.idx.msk [tilespmem:v10+s20+$0x0], $0xffff;
	v10 =	vshll.u32 v15, $0x3;
	v13 =	vand.u32 $0x7F, v13;
	v12 =	vand.u32 $0xFFFFFC00, v12;
	s1 =	sadd.s32 $0x30, s10  }
0x19b: {  	v10 =	vand.u32 $0xFFFFFC00, v10;
	[tilespmem:s16+$0x180] =	vst v16;
	v17 =	vld.idx.msk [tilespmem:v1+s20+$0x0], $0xffff;
	v21 =	vor.u32 v13, v12;
	v12 =	vand.u32 $0x7F, v15;
	s29 =	sor.u32 $0x200, s1  }
0x19c: {  	s13 =	sadd.s32 $0x10, s10;
	v11 =	vld.idx.msk [tilespmem:v11+s20+$0x0], $0xffff;
	v10 =	vor.u32 v12, v10;
	[tilespmem:s29+$0xC400] =	vst v7  }
0x19d: {  	s30 =	sor.u32 $0x200, s13;
	v7 =	vor.u32 $0x280, v0;
	v9 =	vld.idx.msk [tilespmem:v9+s20+$0x0], $0xffff  }
0x19e: {  	s8 =	simm.s32 $0x200;
	s4 =	sor.u32 $0x200, s10;
	v12 =	vor.u32 $0x280, v3;
	v13 =	vld.idx.msk [tilespmem:v2+s20+$0x0], $0xffff;
	[tilespmem:s30+$0xC400] =	vst v6  }
0x19f: {  	s14 =	sand.u32 $0x1C00, s8;
	s15 =	sadd.s32 $0x20, s10;
	[tilespmem:s4+$0xC400] =	vst v8;
	v8 =	vor.u32 $0x80, v1;
	v6 =	vld.idx.msk [tilespmem:v14+s20+$0x0], $0xffff  }
0x1a0: {  	s0 =	sadd.s32 $0xC400, s14;
	s12 =	sor.u32 $0x200, s15;
	v14 =	vor.u32 $0x300, v5;
	v15 =	vld.idx.msk [tilespmem:v21+s20+$0x0], $0xffff  }
0x1a1: {  	v16 =	vor.u32 $0x80, v2;
	s2 =	sor.u32 s17, s0;
	[tilespmem:s12+$0xC400] =	vst v11;
	v18 =	vld.idx.msk [tilespmem:v10+s20+$0x0], $0xffff  }
0x1a2: {  	s16 =	sor.u32 $0x280, s1;
	v19 =	vor.u32 $0x80, v21;
	[tilespmem:s2+$0x0] =	vst v17;
	v22 =	vld.idx.msk [tilespmem:v7+s20+$0x0], $0xffff  }
0x1a3: {  	s11 =	sor.u32 s11, s0;
	v7 =	vor.u32 $0x80, v10;
	v11 =	vld.idx.msk [tilespmem:v12+s20+$0x0], $0xffff;
	[tilespmem:s16+$0xC400] =	vst v9  }
0x1a4: {  	s17 =	sor.u32 $0x280, s13;
	v9 =	vor.u32 $0x300, v4;
	[tilespmem:s11+$0x0] =	vst v13;
	v8 =	vld.idx.msk [tilespmem:v8+s20+$0x0], $0xffff  }
0x1a5: {  	s5 =	sor.u32 s24, s0;
	v13 =	vor.u32 $0x300, v3;
	v12 =	vld.idx.msk [tilespmem:v14+s20+$0x0], $0xffff;
	[tilespmem:s17+$0xC400] =	vst v6  }
0x1a6: {  	s14 =	sor.u32 s25, s0;
	v5 =	vor.u32 $0x380, v5;
	v16 =	vld.idx.msk [tilespmem:v16+s20+$0x0], $0xffff;
	[tilespmem:s5+$0x0] =	vst v15  }
0x1a7: {  	s23 =	sor.u32 $0x280, s15;
	v17 =	vor.u32 $0x100, v2;
	v15 =	vld.idx.msk [tilespmem:v19+s20+$0x0], $0xffff;
	[tilespmem:s14+$0x0] =	vst v18  }
0x1a8: {  	s26 =	sor.u32 $0x280, s10;
	v19 =	vor.u32 $0x100, v1;
	[tilespmem:s23+$0xC400] =	vst v11;
	v7 =	vld.idx.msk [tilespmem:v7+s20+$0x0], $0xffff  }
0x1a9: {  	s24 =	sor.u32 $0x300, s1;
	v6 =	vor.u32 $0x100, v21;
	[tilespmem:s26+$0xC400] =	vst v22;
	v23 =	vld.idx.msk [tilespmem:v9+s20+$0x0], $0xffff  }
0x1aa: {  	v20 =	vor.u32 $0x100, v10;
	v14 =	vld.idx.msk [tilespmem:v13+s20+$0x0], $0xffff;
	[tilespmem:s24+$0xC400] =	vst v12  }
0x1ab: {  	[tilespmem:s11+$0x80] =	vst v16;
	v16 =	vor.u32 $0x300, v0;
	v24 =	vld.idx.msk [tilespmem:v5+s20+$0x0], $0xffff  }
0x1ac: {  	v25 =	vor.u32 $0x380, v4;
	[tilespmem:s2+$0x80] =	vst v8;
	v18 =	vld.idx.msk [tilespmem:v17+s20+$0x0], $0xffff  }
0x1ad: {  	v4 =	vor.u32 $0x380, v21;
	v17 =	vld.idx.msk [tilespmem:v19+s20+$0x0], $0xffff;
	[tilespmem:s5+$0x80] =	vst v15  }
0x1ae: {  	s28 =	sor.u32 $0x300, s10;
	s25 =	sor.u32 s3, s3;
	s31 =	sor.u32 $0x380, s13;
	v11 =	vor.u32 $0x200, v21;
	v22 =	vor.u32 $0x180, v2;
	v13 =	vor.u32 $0x180, v21;
	v19 =	vld.idx.msk [tilespmem:v6+s20+$0x0], $0xffff;
	[tilespmem:s14+$0x80] =	vst v7  }
0x1af: {  	s1 =	sor.u32 $0x380, s1;
	s29 =	sor.u32 $0x300, s13;
	s30 =	sor.u32 s8, s22;
	v8 =	vor.u32 $0x280, v21;
	v6 =	vor.u32 $0x300, v21;
	v21 =	vor.u32 $0x180, v1;
	v20 =	vld.idx.msk [tilespmem:v20+s20+$0x0], $0xffff  }
0x1b0: {  	s3 =	sor.u32 $0x380, s15;
	s7 =	sor.u32 $0x380, s25;
	s10 =	sor.u32 $0x380, s30;
	v3 =	vor.u32 $0x380, v3;
	v9 =	vor.u32 $0x200, v10;
	v12 =	vor.u32 $0x180, v10;
	[tilespmem:s29+$0xC400] =	vst v23;
	v15 =	vld.idx.msk [tilespmem:v16+s20+$0x0], $0xffff  }
0x1b1: {  	s12 =	simm.s32 $0x4;
	s16 =	sor.u32 $0x300, s15;
	s24 =	simm.s32 $0x80;
	v5 =	vor.u32 $0x300, v10;
	v7 =	vor.u32 $0x280, v10;
	v10 =	vor.u32 $0x380, v10;
	v16 =	vld.idx.msk [tilespmem:v25+s20+$0x0], $0xffff;
	[tilespmem:s1+$0xC400] =	vst v24  }
.LBB2_15:
0x1b2: {  	v23 =	vld [tilespmem:s24+$0x0];
	[tilespmem:s11+$0x100] =	vst v18;
	s22 =	sadd.s32 $0x40, s22  }
0x1b3: {  	s12 =	sadd.s32 $0x4, s12;
	s13 =	sand.u32 $0x40, s22;
	[tilespmem:s2+$0x100] =	vst v17;
	v17 =	vld.idx.msk [tilespmem:v22+s20+$0x0], $0xffff  }
0x1b4: {  	s0 =	sand.u32 $0x380, s22;
	p3 =	slt.u32 s12, $0x3C;
	s15 =	sor.u32 $0x30, s13;
	v18 =	vld.idx.msk [tilespmem:v21+s20+$0x0], $0xffff;
	[tilespmem:s5+$0x100] =	vst v19  }
0x1b5: {  	s30 =	sor.u32 $0x10, s13;
	s26 =	sor.u32 $0x20, s13;
	v19 =	vor.u32 $0x200, v2;
	s1 =	sor.u32 s15, s0;
	v13 =	vld.idx.msk [tilespmem:v13+s20+$0x0], $0xffff;
	[tilespmem:s14+$0x100] =	vst v20  }
0x1b6: {  	v21 =	vor.u32 $0x200, v1;
	s4 =	sor.u32 s30, s0;
	s0 =	sor.u32 s26, s0;
	v20 =	vld [tilespmem:s1+$0x0];
	[tilespmem:s16+$0xC400] =	vst v14  }
0x1b7: {  	v14 =	vld [tilespmem:s4+$0x0];
	[tilespmem:s28+$0xC400] =	vst v15  }
0x1b8: {  	v15 =	vshll.u32 v23, $0x3;
	v22 =	vld [tilespmem:s0+$0x0];
	[tilespmem:s31+$0xC400] =	vst v16  }
0x1b9: {  	v16 =	vand.u32 $0x7F, v23;
	v15 =	vand.u32 $0xFFFFFC00, v15;
	v12 =	vld.idx.msk [tilespmem:v12+s20+$0x0], $0xffff;
	[tilespmem:s11+$0x180] =	vst v17;
	v17 =	vor.u32 $0x380, v0;
	v0 =	vmovc v1  }
0x1ba: {  	p2 =	por !p2, !p2;
	s0 =	simm.s32 $0x1;
	v1 =	vor.u32 v16, v15;
	[tilespmem:s2+$0x180] =	vst v18;
	v15 =	vld.idx.msk [tilespmem:v19+s20+$0x0], $0xffff  }
0x1bb: {  	s0 =	simm.s32 @!p2 $0x0;
	v16 =	vshll.u32 v20, $0x3;
	v18 =	vld.idx.msk [tilespmem:v21+s20+$0x0], $0xffff;
	[tilespmem:s5+$0x180] =	vst v13  }
0x1bc: {  	s0 =	sshll.u32 s0, $0x6;
	v13 =	vand.u32 $0x7F, v20;
	v16 =	vand.u32 $0xFFFFFC00, v16;
	v19 =	vld.idx.msk [tilespmem:v11+s20+$0x0], $0xffff;
	v11 =	vor.u32 $0x280, v2  }
0x1bd: {  	s2 =	sadd.s32 s0, s8;
	v20 =	vshll.u32 v14, $0x3;
	v21 =	vshll.u32 v22, $0x3;
	v16 =	vor.u32 v13, v16;
	v23 =	vld.idx.msk [tilespmem:v3+s20+$0x0], $0xffff;
	v3 =	vmovc v10  }
0x1be: {  	s4 =	sadd.s32 $0x10, s2;
	s5 =	sadd.s32 $0x20, s2;
	s1 =	sadd.s32 $0x30, s2;
	v10 =	vand.u32 $0x7F, v14;
	v13 =	vand.u32 $0xFFFFFC00, v20;
	v14 =	vand.u32 $0xFFFFFC00, v21;
	v17 =	vld.idx.msk [tilespmem:v17+s20+$0x0], $0xffff  }
0x1bf: {  	s11 =	sor.u32 $0x200, s4;
	s16 =	sor.u32 $0x200, s1;
	v10 =	vor.u32 v10, v13;
	v13 =	vand.u32 $0x7F, v22;
	v21 =	vor.u32 $0x280, v0;
	v20 =	vld.idx.msk [tilespmem:v1+s20+$0x0], $0xffff;
	[tilespmem:s14+$0x180] =	vst v12;
	s14 =	sor.u32 $0x200, s5  }
0x1c0: {  	s23 =	sor.u32 $0x200, s2;
	s0 =	sor.u32 $0x280, s4;
	s29 =	sor.u32 $0x280, s5;
	v22 =	vor.u32 $0x80, v10;
	v24 =	vor.u32 $0x100, v10;
	v14 =	vor.u32 v13, v14;
	v25 =	vld.idx.msk [tilespmem:v9+s20+$0x0], $0xffff;
	[tilespmem:s16+$0xC400] =	vst v15  }
0x1c1: {  	s25 =	sor.u32 $0x280, s2;
	v13 =	vor.u32 $0x180, v10;
	v15 =	vor.u32 $0x80, v14;
	v26 =	vor.u32 $0x100, v14;
	s16 =	sor.u32 $0x300, s5;
	[tilespmem:s23+$0xC400] =	vst v18;
	s23 =	sor.u32 $0x300, s4;
	v18 =	vld.idx.msk [tilespmem:v11+s20+$0x0], $0xffff  }
0x1c2: {  	s28 =	sor.u32 $0x300, s2;
	s31 =	sor.u32 $0x380, s4;
	s2 =	sor.u32 $0x380, s5;
	v12 =	vor.u32 $0x180, v14;
	v9 =	vor.u32 $0x200, v14;
	v11 =	vor.u32 $0x200, v10;
	v27 =	vld.idx.msk [tilespmem:v16+s20+$0x0], $0xffff;
	[tilespmem:s11+$0xC400] =	vst v19  }
0x1c3: {  	v29 =	vor.u32 $0x300, v2;
	v19 =	vor.u32 $0x280, v14;
	v28 =	vld.idx.msk [tilespmem:v8+s20+$0x0], $0xffff;
	v8 =	vor.u32 $0x280, v10;
	[tilespmem:s3+$0xC400] =	vst v23;
	s3 =	smov.u32 s2  }
0x1c4: {  	s8 =	sadd.s32 $0x200, s8;
	v32 =	vor.u32 $0x80, v16;
	v30 =	vor.u32 $0x300, v10;
	v31 =	vor.u32 $0x300, v14;
	v23 =	vld.idx.msk [tilespmem:v10+s20+$0x0], $0xffff;
	[tilespmem:s7+$0xC400] =	vst v17;
	s7 =	smov.u32 s10  }
0x1c5: {  	v33 =	vor.u32 $0x380, v10;
	s4 =	sor.u32 s8, s22;
	s2 =	sand.u32 $0x1C00, s8;
	v17 =	vor.u32 $0x80, v1;
	v10 =	vor.u32 $0x380, v14;
	v34 =	vld.idx.msk [tilespmem:v14+s20+$0x0], $0xffff  }
0x1c6: {  	s17 =	sadd.s32 $0xC400, s2;
	s10 =	sor.u32 $0x380, s4;
	s4 =	sor.u32 $0x280, s1;
	v35 =	vld.idx.msk [tilespmem:v21+s20+$0x0], $0xffff;
	[tilespmem:s14+$0xC400] =	vst v25  }
0x1c7: {  	s2 =	sor.u32 s13, s17;
	s5 =	sor.u32 s30, s17;
	s11 =	sor.u32 s15, s17;
	v14 =	vld.idx.msk [tilespmem:v7+s20+$0x0], $0xffff;
	[tilespmem:s4+$0xC400] =	vst v18;
	v7 =	vmov v19  }
0x1c8: {  	s14 =	sor.u32 s26, s17;
	[tilespmem:s11+$0x0] =	vst v27;
	v18 =	vld.idx.msk [tilespmem:v29+s20+$0x0], $0xffff  }
0x1c9: {  	[tilespmem:s2+$0x0] =	vst v20;
	v19 =	vld.idx.msk [tilespmem:v32+s20+$0x0], $0xffff  }
0x1ca: {  	v20 =	vor.u32 $0x380, v2;
	v2 =	vmov v16;
	v17 =	vld.idx.msk [tilespmem:v17+s20+$0x0], $0xffff;
	[tilespmem:s5+$0x0] =	vst v23  }
0x1cb: {  	v21 =	vor.u32 $0x100, v2;
	v16 =	vld.idx.msk [tilespmem:v22+s20+$0x0], $0xffff;
	[tilespmem:s14+$0x0] =	vst v34  }
0x1cc: {  	v22 =	vor.u32 $0x100, v1;
	v15 =	vld.idx.msk [tilespmem:v15+s20+$0x0], $0xffff;
	[tilespmem:s0+$0xC400] =	vst v28  }
0x1cd: {  	s0 =	sor.u32 $0x300, s1;
	v23 =	vld.idx.msk [tilespmem:v6+s20+$0x0], $0xffff;
	[tilespmem:s29+$0xC400] =	vst v14;
	v6 =	vmov v30  }
0x1ce: {  	v14 =	vld.idx.msk [tilespmem:v5+s20+$0x0], $0xffff;
	[tilespmem:s0+$0xC400] =	vst v18;
	v5 =	vmov v31  }
0x1cf: {  	v25 =	vor.u32 $0x300, v0;
	[tilespmem:s11+$0x80] =	vst v19;
	v27 =	vld.idx.msk [tilespmem:v20+s20+$0x0], $0xffff  }
0x1d0: {  	[tilespmem:s2+$0x80] =	vst v17;
	v18 =	vld.idx.msk [tilespmem:v21+s20+$0x0], $0xffff  }
.Ltmp10:
0x1d1: {  	v17 =	vld.idx.msk [tilespmem:v22+s20+$0x0], $0xffff;
	[tilespmem:s5+$0x80] =	vst v16;
	(pc) =	sbr.rel @p3 .LBB2_15-.Ltmp10, $4  }
0x1d2: {  	v22 =	vor.u32 $0x180, v2;
	v19 =	vld.idx.msk [tilespmem:v24+s20+$0x0], $0xffff;
	[tilespmem:s14+$0x80] =	vst v15  }
0x1d3: {  	v21 =	vor.u32 $0x180, v1;
	v20 =	vld.idx.msk [tilespmem:v26+s20+$0x0], $0xffff;
	[tilespmem:s25+$0xC400] =	vst v35  }
0x1d4: {  	s0 =	sor.u32 $0x380, s1;
	v15 =	vld.idx.msk [tilespmem:v25+s20+$0x0], $0xffff;
	[tilespmem:s23+$0xC400] =	vst v23  }
0x1d5: {  	s24 =	sadd.s32 $0x40, s24;
	v16 =	vld.idx.msk [tilespmem:v4+s20+$0x0], $0xffff;
	[tilespmem:s0+$0xC400] =	vst v27;
	v4 =	vmov v33  }
0x1d6: {  	_ =	sdelay $0x2  }
0x1d7: {  	[tilespmem:s11+$0x100] =	vst v18  }
0x1d8: {  	[tilespmem:s2+$0x100] =	vst v17;
	v18 =	vld.idx.msk [tilespmem:v22+s20+$0x0], $0xffff  }
0x1d9: {  	v53 =	vor.u32 $0x200, v2;
	[tilespmem:s5+$0x100] =	vst v19;
	v17 =	vld.idx.msk [tilespmem:v21+s20+$0x0], $0xffff  }
0x1da: {  	v54 =	vor.u32 $0x200, v1;
	v13 =	vld.idx.msk [tilespmem:v13+s20+$0x0], $0xffff;
	[tilespmem:s14+$0x100] =	vst v20  }
0x1db: {  	v12 =	vld.idx.msk [tilespmem:v12+s20+$0x0], $0xffff;
	_ =	sdelay $0x1  }
0x1dc: {  	p2 =	por !p2, !p2;
	s0 =	simm.s32 $0x1;
	[tilespmem:s11+$0x180] =	vst v18  }
0x1dd: {  	s0 =	simm.s32 @!p2 $0x0;
	[tilespmem:s2+$0x180] =	vst v17;
	v18 =	vld.idx.msk [tilespmem:v53+s20+$0x0], $0xffff  }
0x1de: {  	v55 =	vor.u32 $0x280, v2;
	s0 =	sshll.u32 s0, $0x6;
	[tilespmem:s5+$0x180] =	vst v13;
	v56 =	vld.idx.msk [tilespmem:v54+s20+$0x0], $0xffff  }
0x1df: {  	v57 =	vor.u32 $0x280, v1;
	s0 =	sadd.s32 s0, s8;
	v11 =	vld.idx.msk [tilespmem:v11+s20+$0x0], $0xffff;
	[tilespmem:s14+$0x180] =	vst v12  }
0x1e0: {  	s1 =	sadd.s32 $0x30, s0;
	v9 =	vld.idx.msk [tilespmem:v9+s20+$0x0], $0xffff  }
0x1e1: {  	s4 =	sor.u32 $0x200, s1  }
0x1e2: {  	s15 =	sor.u32 $0x200, s0;
	s11 =	sadd.s32 $0x10, s0;
	[tilespmem:s4+$0xC400] =	vst v18  }
0x1e3: {  	s12 =	sadd.s32 $0x20, s0;
	s13 =	sor.u32 $0x200, s11;
	[tilespmem:s15+$0xC400] =	vst v56;
	v13 =	vld.idx.msk [tilespmem:v55+s20+$0x0], $0xffff  }
0x1e4: {  	v58 =	vor.u32 $0x300, v2;
	s14 =	sor.u32 $0x200, s12;
	[tilespmem:s13+$0xC400] =	vst v11;
	v59 =	vld.idx.msk [tilespmem:v57+s20+$0x0], $0xffff  }
0x1e5: {  	v60 =	vor.u32 $0x300, v1;
	v8 =	vld.idx.msk [tilespmem:v8+s20+$0x0], $0xffff;
	[tilespmem:s14+$0xC400] =	vst v9  }
0x1e6: {  	v7 =	vld.idx.msk [tilespmem:v7+s20+$0x0], $0xffff  }
0x1e7: {  	[tilespmem:s16+$0xC400] =	vst v14;
	s16 =	sor.u32 $0x280, s1  }
0x1e8: {  	s23 =	sor.u32 $0x280, s0;
	[tilespmem:s16+$0xC400] =	vst v13  }
0x1e9: {  	v0 =	vor.u32 $0x380, v0;
	s17 =	sor.u32 $0x280, s11;
	[tilespmem:s23+$0xC400] =	vst v59;
	v11 =	vld.idx.msk [tilespmem:v58+s20+$0x0], $0xffff  }
0x1ea: {  	v61 =	vor.u32 $0x380, v2;
	s22 =	sor.u32 $0x280, s12;
	[tilespmem:s17+$0xC400] =	vst v8;
	v62 =	vld.idx.msk [tilespmem:v60+s20+$0x0], $0xffff  }
0x1eb: {  	v63 =	vor.u32 $0x380, v1;
	v6 =	vld.idx.msk [tilespmem:v6+s20+$0x0], $0xffff;
	[tilespmem:s22+$0xC400] =	vst v7  }
0x1ec: {  	[tilespmem:s28+$0xC400] =	vst v15;
	v5 =	vld.idx.msk [tilespmem:v5+s20+$0x0], $0xffff  }
0x1ed: {  	v3 =	vld.idx.msk [tilespmem:v3+s20+$0x0], $0xffff;
	[tilespmem:s31+$0xC400] =	vst v16;
	s24 =	sor.u32 $0x300, s1  }
0x1ee: {  	v0 =	vld.idx.msk [tilespmem:v0+s20+$0x0], $0xffff;
	s0 =	sor.u32 $0x300, s0;
	[tilespmem:s24+$0xC400] =	vst v11  }
0x1ef: {  	s25 =	sor.u32 $0x300, s11;
	[tilespmem:s0+$0xC400] =	vst v62;
	v2 =	vld.idx.msk [tilespmem:v61+s20+$0x0], $0xffff  }
0x1f0: {  	s26 =	sor.u32 $0x300, s12;
	[tilespmem:s25+$0xC400] =	vst v6;
	v1 =	vld.idx.msk [tilespmem:v63+s20+$0x0], $0xffff  }
0x1f1: {  	v4 =	vld.idx.msk [tilespmem:v4+s20+$0x0], $0xffff;
	[tilespmem:s26+$0xC400] =	vst v5  }
0x1f2: {  	[tilespmem:s3+$0xC400] =	vst v3;
	v5 =	vld.idx.msk [tilespmem:v10+s20+$0x0], $0xffff  }
0x1f3: {  	s28 =	sor.u32 $0x380, s1;
	[tilespmem:s7+$0xC400] =	vst v0  }
0x1f4: {  	[tilespmem:s28+$0xC400] =	vst v2  }
0x1f5: {  	s29 =	sor.u32 $0x380, s11;
	[tilespmem:s10+$0xC400] =	vst v1  }
.Ltmp11:
0x1f6: {  	s30 =	sor.u32 $0x380, s12;
	[tilespmem:s29+$0xC400] =	vst v4;
	(pc) =	sbr.rel @p1 .LBB2_18-.Ltmp11, $4  }
0x1f7: {  	[tilespmem:s30+$0xC400] =	vst v5  }
0x1f8: {  	s0 =	rddreg [dreg:$0xc]  }
0x1f9: {  	s31 =	simm.s32 $0xC400;
	s1 =	simm.s32 $0x0;
	s0 =	sadd.s32 s6, s0  }
0x1fa: {  	[hbm4b:s0+s1] =	stream.linear.scatter [tilespmem:s31], [sflag:$0x7], $0x2000, $0x38;
	[tilespmem:$0x10400] =	vst v63  }
.Ltmp12:
0x1fb: {  	(pc) =	sbr.rel .LBB2_19-.Ltmp12, $4  }
0x1fc: {  	s0 =	simm.s32 $0x4  }
0x1fd: {  	_ =	swait.ge [sflag:s0], $0x2000  }
0x1fe: {  	[sflag:s0] =	ssyncset.done $0x0  }
0x1ff: {  	[sflag:s0] =	ssyncadd.s32 $0xFFFFE000  }
.LBB2_18:
0x200: {  	s0 =	rddreg [dreg:$0xd]  }
0x201: {  	s2 =	rddreg [dreg:$0x12]  }
.Ltmp13:
0x202: {  	s31 =	simm.s32 $0x4;
	s0 =	sadd.s32 s2, s0;
	(pc) =	sbr.rel @p0 .LBB2_20-.Ltmp13, $4  }
0x203: {  	[tilespmem:s20], [sflag:$0x3] =	stream.linear.gather [hbm4b:s0+s1], $0x2000, $0x38;
	[tilespmem:$0x10400] =	vst v63  }
0x204: {  	_ =	swait.ge [sflag:s31], $0x2000  }
0x205: {  	[sflag:s31] =	ssyncset.done $0x0  }
0x206: {  	[sflag:s31] =	ssyncadd.s32 $0xFFFFE000  }
.LBB2_19:
0x207: {  	s0 =	simm.s32 $0x8  }
0x208: {  	_ =	swait.ge [sflag:s0], $0x2000  }
0x209: {  	[sflag:s0] =	ssyncset.done $0x0  }
0x20a: {  	[sflag:s0] =	ssyncadd.s32 $0xFFFFE000  }
.LBB2_20:
0x20b: {  	s3 =	simm.s32 $0x0  }
0x20c: {  	s0 =	sand.u32 $0x40, s3  }
0x20d: {  	s1 =	sand.u32 $0x380, s3;
	s2 =	sor.u32 $0x30, s0  }
0x20e: {  	s4 =	sor.u32 s2, s1  }
0x20f: {  	v0 =	vld [tilespmem:s4+$0x0]  }
0x210: {  	v1 =	vld [tilespmem:s3+$0x0];
	s13 =	sor.u32 $0x10, s0  }
0x211: {  	s5 =	sor.u32 $0x20, s0;
	s7 =	sor.u32 s13, s1  }
0x212: {  	s1 =	sor.u32 s5, s1;
	v2 =	vld [tilespmem:s7+$0x0]  }
0x213: {  	v3 =	vld [tilespmem:s1+$0x0]  }
0x214: {  	v4 =	vshll.u32 v0, $0x3  }
0x215: {  	v5 =	vshll.u32 v1, $0x3;
	v0 =	vand.u32 $0x7F, v0;
	v4 =	vand.u32 $0xFFFFFC00, v4  }
0x216: {  	v1 =	vand.u32 $0x7F, v1;
	v6 =	vand.u32 $0xFFFFFC00, v5;
	v5 =	vor.u32 v0, v4  }
0x217: {  	v0 =	vor.u32 v1, v6;
	v1 =	vshll.u32 v2, $0x3  }
0x218: {  	v4 =	vshll.u32 v3, $0x3;
	v2 =	vand.u32 $0x7F, v2;
	v1 =	vand.u32 $0xFFFFFC00, v1  }
0x219: {  	v6 =	vand.u32 $0xFFFFFC00, v4;
	v4 =	vor.u32 v2, v1;
	v1 =	vand.u32 $0x7F, v3  }
0x21a: {  	v3 =	vor.u32 v1, v6  }
0x21b: {  	v1 =	vld.idx.msk [tilespmem:v5+s21+$0x0], $0xffff  }
0x21c: {  	v6 =	vor.u32 $0x80, v5;
	v2 =	vld.idx.msk [tilespmem:v0+s21+$0x0], $0xffff  }
0x21d: {  	s14 =	sand.u32 $0x1C00, s3;
	v7 =	vor.u32 $0x80, v0  }
0x21e: {  	s15 =	sadd.s32 $0xE400, s14;
	v8 =	vld.idx.msk [tilespmem:v4+s21+$0x0], $0xffff  }
0x21f: {  	s8 =	sor.u32 s2, s15;
	v9 =	vor.u32 $0x80, v4;
	v10 =	vld.idx.msk [tilespmem:v3+s21+$0x0], $0xffff  }
0x220: {  	s1 =	sor.u32 s0, s15;
	v11 =	vor.u32 $0x80, v3;
	[tilespmem:s8+$0x0] =	vst v1  }
0x221: {  	[tilespmem:s1+$0x0] =	vst v2;
	v1 =	vld.idx.msk [tilespmem:v6+s21+$0x0], $0xffff  }
0x222: {  	s4 =	sor.u32 s13, s15;
	v2 =	vld.idx.msk [tilespmem:v7+s21+$0x0], $0xffff;
	v6 =	vor.u32 $0x100, v5  }
0x223: {  	s16 =	sor.u32 s5, s15;
	v7 =	vor.u32 $0x100, v0;
	[tilespmem:s4+$0x0] =	vst v8  }
0x224: {  	v8 =	vld.idx.msk [tilespmem:v9+s21+$0x0], $0xffff;
	[tilespmem:s16+$0x0] =	vst v10  }
0x225: {  	v9 =	vor.u32 $0x100, v4;
	v10 =	vld.idx.msk [tilespmem:v11+s21+$0x0], $0xffff  }
0x226: {  	v11 =	vor.u32 $0x100, v3;
	[tilespmem:s8+$0x80] =	vst v1  }
0x227: {  	[tilespmem:s1+$0x80] =	vst v2;
	v1 =	vld.idx.msk [tilespmem:v6+s21+$0x0], $0xffff  }
0x228: {  	v2 =	vld.idx.msk [tilespmem:v7+s21+$0x0], $0xffff;
	v6 =	vor.u32 $0x180, v5  }
0x229: {  	v7 =	vor.u32 $0x180, v0;
	[tilespmem:s4+$0x80] =	vst v8  }
0x22a: {  	v8 =	vld.idx.msk [tilespmem:v9+s21+$0x0], $0xffff;
	[tilespmem:s16+$0x80] =	vst v10  }
0x22b: {  	s22 =	simm.s32 $0x40;
	v9 =	vor.u32 $0x180, v4;
	v10 =	vld.idx.msk [tilespmem:v11+s21+$0x0], $0xffff  }
0x22c: {  	s17 =	sand.u32 $0x40, s22;
	v11 =	vld [tilespmem:s22+$0x0];
	[tilespmem:s8+$0x100] =	vst v1  }
0x22d: {  	s10 =	sand.u32 $0x380, s22;
	s11 =	sor.u32 $0x30, s17;
	[tilespmem:s1+$0x100] =	vst v2;
	v1 =	vld.idx.msk [tilespmem:v6+s21+$0x0], $0xffff  }
0x22e: {  	s23 =	sor.u32 s11, s10;
	v2 =	vor.u32 $0x180, v3;
	v6 =	vld.idx.msk [tilespmem:v7+s21+$0x0], $0xffff  }
0x22f: {  	s24 =	sor.u32 $0x10, s17;
	v7 =	vor.u32 $0x200, v5;
	[tilespmem:s4+$0x100] =	vst v8;
	v8 =	vld [tilespmem:s23+$0x0]  }
0x230: {  	s25 =	sor.u32 $0x20, s17;
	s12 =	sor.u32 s24, s10;
	v9 =	vld.idx.msk [tilespmem:v9+s21+$0x0], $0xffff  }
0x231: {  	s10 =	sor.u32 s25, s10;
	v13 =	vld [tilespmem:s12+$0x0];
	v12 =	vor.u32 $0x200, v4;
	v14 =	vshll.u32 v11, $0x3  }
0x232: {  	v15 =	vld [tilespmem:s10+$0x0];
	[tilespmem:s16+$0x100] =	vst v10;
	v10 =	vor.u32 $0x200, v0;
	v11 =	vand.u32 $0x7F, v11;
	v14 =	vand.u32 $0xFFFFFC00, v14  }
0x233: {  	p0 =	por $0x0, $0x0;
	v16 =	vld.idx.msk [tilespmem:v2+s21+$0x0], $0xffff;
	[tilespmem:s8+$0x180] =	vst v1;
	v1 =	vor.u32 v11, v14;
	s8 =	simm.s32 $0x1  }
0x234: {  	v11 =	vor.u32 $0x200, v3;
	v7 =	vld.idx.msk [tilespmem:v7+s21+$0x0], $0xffff;
	v2 =	vshll.u32 v8, $0x3;
	s8 =	simm.s32 @!p0 $0x0  }
0x235: {  	v8 =	vand.u32 $0x7F, v8;
	[tilespmem:s4+$0x180] =	vst v9;
	v2 =	vand.u32 $0xFFFFFC00, v2;
	s26 =	sshll.u32 s8, $0x6;
	v9 =	vor.u32 $0x280, v5  }
0x236: {  	v14 =	vor.u32 $0x280, v4;
	[tilespmem:s1+$0x180] =	vst v6;
	v6 =	vld.idx.msk [tilespmem:v12+s21+$0x0], $0xffff;
	v12 =	vshll.u32 v13, $0x3;
	v2 =	vor.u32 v8, v2;
	s10 =	sadd.s32 $0x0, s26  }
0x237: {  	v8 =	vld.idx.msk [tilespmem:v10+s21+$0x0], $0xffff;
	v10 =	vshll.u32 v15, $0x3;
	v13 =	vand.u32 $0x7F, v13;
	v12 =	vand.u32 $0xFFFFFC00, v12;
	s1 =	sadd.s32 $0x30, s10  }
0x238: {  	v10 =	vand.u32 $0xFFFFFC00, v10;
	[tilespmem:s16+$0x180] =	vst v16;
	v17 =	vld.idx.msk [tilespmem:v1+s21+$0x0], $0xffff;
	v21 =	vor.u32 v13, v12;
	v12 =	vand.u32 $0x7F, v15;
	s29 =	sor.u32 $0x200, s1  }
0x239: {  	s13 =	sadd.s32 $0x10, s10;
	v11 =	vld.idx.msk [tilespmem:v11+s21+$0x0], $0xffff;
	v10 =	vor.u32 v12, v10;
	[tilespmem:s29+$0xE400] =	vst v7  }
0x23a: {  	s30 =	sor.u32 $0x200, s13;
	v7 =	vor.u32 $0x280, v0;
	v9 =	vld.idx.msk [tilespmem:v9+s21+$0x0], $0xffff  }
0x23b: {  	s8 =	simm.s32 $0x200;
	s4 =	sor.u32 $0x200, s10;
	v12 =	vor.u32 $0x280, v3;
	v13 =	vld.idx.msk [tilespmem:v2+s21+$0x0], $0xffff;
	[tilespmem:s30+$0xE400] =	vst v6  }
0x23c: {  	s14 =	sand.u32 $0x1C00, s8;
	s15 =	sadd.s32 $0x20, s10;
	[tilespmem:s4+$0xE400] =	vst v8;
	v8 =	vor.u32 $0x80, v1;
	v6 =	vld.idx.msk [tilespmem:v14+s21+$0x0], $0xffff  }
0x23d: {  	s0 =	sadd.s32 $0xE400, s14;
	s12 =	sor.u32 $0x200, s15;
	v14 =	vor.u32 $0x300, v5;
	v15 =	vld.idx.msk [tilespmem:v21+s21+$0x0], $0xffff  }
0x23e: {  	v16 =	vor.u32 $0x80, v2;
	s2 =	sor.u32 s17, s0;
	[tilespmem:s12+$0xE400] =	vst v11;
	v18 =	vld.idx.msk [tilespmem:v10+s21+$0x0], $0xffff  }
0x23f: {  	s16 =	sor.u32 $0x280, s1;
	v19 =	vor.u32 $0x80, v21;
	[tilespmem:s2+$0x0] =	vst v17;
	v22 =	vld.idx.msk [tilespmem:v7+s21+$0x0], $0xffff  }
0x240: {  	s11 =	sor.u32 s11, s0;
	v7 =	vor.u32 $0x80, v10;
	v11 =	vld.idx.msk [tilespmem:v12+s21+$0x0], $0xffff;
	[tilespmem:s16+$0xE400] =	vst v9  }
0x241: {  	s17 =	sor.u32 $0x280, s13;
	v9 =	vor.u32 $0x300, v4;
	[tilespmem:s11+$0x0] =	vst v13;
	v8 =	vld.idx.msk [tilespmem:v8+s21+$0x0], $0xffff  }
0x242: {  	s5 =	sor.u32 s24, s0;
	v13 =	vor.u32 $0x300, v3;
	v12 =	vld.idx.msk [tilespmem:v14+s21+$0x0], $0xffff;
	[tilespmem:s17+$0xE400] =	vst v6  }
0x243: {  	s14 =	sor.u32 s25, s0;
	v5 =	vor.u32 $0x380, v5;
	v16 =	vld.idx.msk [tilespmem:v16+s21+$0x0], $0xffff;
	[tilespmem:s5+$0x0] =	vst v15  }
0x244: {  	s23 =	sor.u32 $0x280, s15;
	v17 =	vor.u32 $0x100, v2;
	v15 =	vld.idx.msk [tilespmem:v19+s21+$0x0], $0xffff;
	[tilespmem:s14+$0x0] =	vst v18  }
0x245: {  	s26 =	sor.u32 $0x280, s10;
	v19 =	vor.u32 $0x100, v1;
	[tilespmem:s23+$0xE400] =	vst v11;
	v7 =	vld.idx.msk [tilespmem:v7+s21+$0x0], $0xffff  }
0x246: {  	s24 =	sor.u32 $0x300, s1;
	v6 =	vor.u32 $0x100, v21;
	[tilespmem:s26+$0xE400] =	vst v22;
	v23 =	vld.idx.msk [tilespmem:v9+s21+$0x0], $0xffff  }
0x247: {  	v20 =	vor.u32 $0x100, v10;
	v14 =	vld.idx.msk [tilespmem:v13+s21+$0x0], $0xffff;
	[tilespmem:s24+$0xE400] =	vst v12  }
0x248: {  	[tilespmem:s11+$0x80] =	vst v16;
	v16 =	vor.u32 $0x300, v0;
	v24 =	vld.idx.msk [tilespmem:v5+s21+$0x0], $0xffff  }
0x249: {  	v25 =	vor.u32 $0x380, v4;
	[tilespmem:s2+$0x80] =	vst v8;
	v18 =	vld.idx.msk [tilespmem:v17+s21+$0x0], $0xffff  }
0x24a: {  	v4 =	vor.u32 $0x380, v21;
	v17 =	vld.idx.msk [tilespmem:v19+s21+$0x0], $0xffff;
	[tilespmem:s5+$0x80] =	vst v15  }
0x24b: {  	s28 =	sor.u32 $0x300, s10;
	s25 =	sor.u32 s3, s3;
	s31 =	sor.u32 $0x380, s13;
	v11 =	vor.u32 $0x200, v21;
	v22 =	vor.u32 $0x180, v2;
	v13 =	vor.u32 $0x180, v21;
	v19 =	vld.idx.msk [tilespmem:v6+s21+$0x0], $0xffff;
	[tilespmem:s14+$0x80] =	vst v7  }
0x24c: {  	s1 =	sor.u32 $0x380, s1;
	s29 =	sor.u32 $0x300, s13;
	s30 =	sor.u32 s8, s22;
	v8 =	vor.u32 $0x280, v21;
	v6 =	vor.u32 $0x300, v21;
	v21 =	vor.u32 $0x180, v1;
	v20 =	vld.idx.msk [tilespmem:v20+s21+$0x0], $0xffff  }
0x24d: {  	s3 =	sor.u32 $0x380, s15;
	s7 =	sor.u32 $0x380, s25;
	s10 =	sor.u32 $0x380, s30;
	v3 =	vor.u32 $0x380, v3;
	v9 =	vor.u32 $0x200, v10;
	v12 =	vor.u32 $0x180, v10;
	[tilespmem:s29+$0xE400] =	vst v23;
	v15 =	vld.idx.msk [tilespmem:v16+s21+$0x0], $0xffff  }
0x24e: {  	s12 =	simm.s32 $0x4;
	s16 =	sor.u32 $0x300, s15;
	s24 =	simm.s32 $0x80;
	v5 =	vor.u32 $0x300, v10;
	v7 =	vor.u32 $0x280, v10;
	v10 =	vor.u32 $0x380, v10;
	v16 =	vld.idx.msk [tilespmem:v25+s21+$0x0], $0xffff;
	[tilespmem:s1+$0xE400] =	vst v24  }
.LBB2_21:
0x24f: {  	v23 =	vld [tilespmem:s24+$0x0];
	[tilespmem:s11+$0x100] =	vst v18;
	s22 =	sadd.s32 $0x40, s22  }
0x250: {  	s12 =	sadd.s32 $0x4, s12;
	s13 =	sand.u32 $0x40, s22;
	[tilespmem:s2+$0x100] =	vst v17;
	v17 =	vld.idx.msk [tilespmem:v22+s21+$0x0], $0xffff  }
0x251: {  	s0 =	sand.u32 $0x380, s22;
	p1 =	slt.u32 s12, $0x3C;
	s15 =	sor.u32 $0x30, s13;
	v18 =	vld.idx.msk [tilespmem:v21+s21+$0x0], $0xffff;
	[tilespmem:s5+$0x100] =	vst v19  }
0x252: {  	s30 =	sor.u32 $0x10, s13;
	s26 =	sor.u32 $0x20, s13;
	v19 =	vor.u32 $0x200, v2;
	s1 =	sor.u32 s15, s0;
	v13 =	vld.idx.msk [tilespmem:v13+s21+$0x0], $0xffff;
	[tilespmem:s14+$0x100] =	vst v20  }
0x253: {  	v21 =	vor.u32 $0x200, v1;
	s4 =	sor.u32 s30, s0;
	s0 =	sor.u32 s26, s0;
	v20 =	vld [tilespmem:s1+$0x0];
	[tilespmem:s16+$0xE400] =	vst v14  }
0x254: {  	v14 =	vld [tilespmem:s4+$0x0];
	[tilespmem:s28+$0xE400] =	vst v15  }
0x255: {  	v15 =	vshll.u32 v23, $0x3;
	v22 =	vld [tilespmem:s0+$0x0];
	[tilespmem:s31+$0xE400] =	vst v16  }
0x256: {  	v16 =	vand.u32 $0x7F, v23;
	v15 =	vand.u32 $0xFFFFFC00, v15;
	v12 =	vld.idx.msk [tilespmem:v12+s21+$0x0], $0xffff;
	[tilespmem:s11+$0x180] =	vst v17;
	v17 =	vor.u32 $0x380, v0;
	v0 =	vmovc v1  }
0x257: {  	p0 =	por !p0, !p0;
	s0 =	simm.s32 $0x1;
	v1 =	vor.u32 v16, v15;
	[tilespmem:s2+$0x180] =	vst v18;
	v15 =	vld.idx.msk [tilespmem:v19+s21+$0x0], $0xffff  }
0x258: {  	s0 =	simm.s32 @!p0 $0x0;
	v16 =	vshll.u32 v20, $0x3;
	v18 =	vld.idx.msk [tilespmem:v21+s21+$0x0], $0xffff;
	[tilespmem:s5+$0x180] =	vst v13  }
0x259: {  	s0 =	sshll.u32 s0, $0x6;
	v13 =	vand.u32 $0x7F, v20;
	v16 =	vand.u32 $0xFFFFFC00, v16;
	v19 =	vld.idx.msk [tilespmem:v11+s21+$0x0], $0xffff;
	v11 =	vor.u32 $0x280, v2  }
0x25a: {  	s2 =	sadd.s32 s0, s8;
	v20 =	vshll.u32 v14, $0x3;
	v21 =	vshll.u32 v22, $0x3;
	v16 =	vor.u32 v13, v16;
	v23 =	vld.idx.msk [tilespmem:v3+s21+$0x0], $0xffff;
	v3 =	vmovc v10  }
0x25b: {  	s4 =	sadd.s32 $0x10, s2;
	s5 =	sadd.s32 $0x20, s2;
	s1 =	sadd.s32 $0x30, s2;
	v10 =	vand.u32 $0x7F, v14;
	v13 =	vand.u32 $0xFFFFFC00, v20;
	v14 =	vand.u32 $0xFFFFFC00, v21;
	v17 =	vld.idx.msk [tilespmem:v17+s21+$0x0], $0xffff  }
0x25c: {  	s11 =	sor.u32 $0x200, s4;
	s16 =	sor.u32 $0x200, s1;
	v10 =	vor.u32 v10, v13;
	v13 =	vand.u32 $0x7F, v22;
	v21 =	vor.u32 $0x280, v0;
	v20 =	vld.idx.msk [tilespmem:v1+s21+$0x0], $0xffff;
	[tilespmem:s14+$0x180] =	vst v12;
	s14 =	sor.u32 $0x200, s5  }
0x25d: {  	s17 =	sor.u32 $0x200, s2;
	s0 =	sor.u32 $0x280, s4;
	s29 =	sor.u32 $0x280, s5;
	v22 =	vor.u32 $0x80, v10;
	v24 =	vor.u32 $0x100, v10;
	v14 =	vor.u32 v13, v14;
	v25 =	vld.idx.msk [tilespmem:v9+s21+$0x0], $0xffff;
	[tilespmem:s16+$0xE400] =	vst v15  }
0x25e: {  	s25 =	sor.u32 $0x280, s2;
	s23 =	sor.u32 $0x300, s4;
	v13 =	vor.u32 $0x180, v10;
	v15 =	vor.u32 $0x80, v14;
	v26 =	vor.u32 $0x100, v14;
	s16 =	sor.u32 $0x300, s5;
	[tilespmem:s17+$0xE400] =	vst v18;
	v18 =	vld.idx.msk [tilespmem:v11+s21+$0x0], $0xffff  }
0x25f: {  	s28 =	sor.u32 $0x300, s2;
	s31 =	sor.u32 $0x380, s4;
	s2 =	sor.u32 $0x380, s5;
	v12 =	vor.u32 $0x180, v14;
	v9 =	vor.u32 $0x200, v14;
	v11 =	vor.u32 $0x200, v10;
	v27 =	vld.idx.msk [tilespmem:v16+s21+$0x0], $0xffff;
	[tilespmem:s11+$0xE400] =	vst v19  }
0x260: {  	v29 =	vor.u32 $0x300, v2;
	v19 =	vor.u32 $0x280, v14;
	v28 =	vld.idx.msk [tilespmem:v8+s21+$0x0], $0xffff;
	v8 =	vor.u32 $0x280, v10;
	[tilespmem:s3+$0xE400] =	vst v23;
	s3 =	smov.u32 s2  }
0x261: {  	s8 =	sadd.s32 $0x200, s8;
	v32 =	vor.u32 $0x80, v16;
	v30 =	vor.u32 $0x300, v10;
	v31 =	vor.u32 $0x300, v14;
	v23 =	vld.idx.msk [tilespmem:v10+s21+$0x0], $0xffff;
	[tilespmem:s7+$0xE400] =	vst v17;
	s7 =	smov.u32 s10  }
0x262: {  	s4 =	sor.u32 s8, s22;
	v33 =	vor.u32 $0x380, v10;
	s2 =	sand.u32 $0x1C00, s8;
	v17 =	vor.u32 $0x80, v1;
	v10 =	vor.u32 $0x380, v14;
	v34 =	vld.idx.msk [tilespmem:v14+s21+$0x0], $0xffff  }
0x263: {  	s17 =	sadd.s32 $0xE400, s2;
	s10 =	sor.u32 $0x380, s4;
	s4 =	sor.u32 $0x280, s1;
	v35 =	vld.idx.msk [tilespmem:v21+s21+$0x0], $0xffff;
	[tilespmem:s14+$0xE400] =	vst v25  }
0x264: {  	s2 =	sor.u32 s13, s17;
	s5 =	sor.u32 s30, s17;
	s11 =	sor.u32 s15, s17;
	v14 =	vld.idx.msk [tilespmem:v7+s21+$0x0], $0xffff;
	[tilespmem:s4+$0xE400] =	vst v18;
	v7 =	vmov v19  }
0x265: {  	s14 =	sor.u32 s26, s17;
	[tilespmem:s11+$0x0] =	vst v27;
	v18 =	vld.idx.msk [tilespmem:v29+s21+$0x0], $0xffff  }
0x266: {  	[tilespmem:s2+$0x0] =	vst v20;
	v19 =	vld.idx.msk [tilespmem:v32+s21+$0x0], $0xffff  }
0x267: {  	v20 =	vor.u32 $0x380, v2;
	v2 =	vmov v16;
	v17 =	vld.idx.msk [tilespmem:v17+s21+$0x0], $0xffff;
	[tilespmem:s5+$0x0] =	vst v23  }
0x268: {  	v21 =	vor.u32 $0x100, v2;
	v16 =	vld.idx.msk [tilespmem:v22+s21+$0x0], $0xffff;
	[tilespmem:s14+$0x0] =	vst v34  }
0x269: {  	v22 =	vor.u32 $0x100, v1;
	v15 =	vld.idx.msk [tilespmem:v15+s21+$0x0], $0xffff;
	[tilespmem:s0+$0xE400] =	vst v28  }
0x26a: {  	s0 =	sor.u32 $0x300, s1;
	v23 =	vld.idx.msk [tilespmem:v6+s21+$0x0], $0xffff;
	[tilespmem:s29+$0xE400] =	vst v14;
	v6 =	vmov v30  }
0x26b: {  	v14 =	vld.idx.msk [tilespmem:v5+s21+$0x0], $0xffff;
	[tilespmem:s0+$0xE400] =	vst v18;
	v5 =	vmov v31  }
0x26c: {  	v25 =	vor.u32 $0x300, v0;
	[tilespmem:s11+$0x80] =	vst v19;
	v27 =	vld.idx.msk [tilespmem:v20+s21+$0x0], $0xffff  }
0x26d: {  	[tilespmem:s2+$0x80] =	vst v17;
	v18 =	vld.idx.msk [tilespmem:v21+s21+$0x0], $0xffff  }
.Ltmp14:
0x26e: {  	v17 =	vld.idx.msk [tilespmem:v22+s21+$0x0], $0xffff;
	[tilespmem:s5+$0x80] =	vst v16;
	(pc) =	sbr.rel @p1 .LBB2_21-.Ltmp14, $4  }
0x26f: {  	v22 =	vor.u32 $0x180, v2;
	v19 =	vld.idx.msk [tilespmem:v24+s21+$0x0], $0xffff;
	[tilespmem:s14+$0x80] =	vst v15  }
0x270: {  	v21 =	vor.u32 $0x180, v1;
	v20 =	vld.idx.msk [tilespmem:v26+s21+$0x0], $0xffff;
	[tilespmem:s25+$0xE400] =	vst v35  }
0x271: {  	s0 =	sor.u32 $0x380, s1;
	v15 =	vld.idx.msk [tilespmem:v25+s21+$0x0], $0xffff;
	[tilespmem:s23+$0xE400] =	vst v23  }
0x272: {  	s24 =	sadd.s32 $0x40, s24;
	v16 =	vld.idx.msk [tilespmem:v4+s21+$0x0], $0xffff;
	[tilespmem:s0+$0xE400] =	vst v27;
	v4 =	vmov v33  }
0x273: {  	_ =	sdelay $0x2  }
0x274: {  	[tilespmem:s11+$0x100] =	vst v18  }
0x275: {  	[tilespmem:s2+$0x100] =	vst v17;
	v18 =	vld.idx.msk [tilespmem:v22+s21+$0x0], $0xffff  }
0x276: {  	v53 =	vor.u32 $0x200, v2;
	[tilespmem:s5+$0x100] =	vst v19;
	v17 =	vld.idx.msk [tilespmem:v21+s21+$0x0], $0xffff  }
0x277: {  	v54 =	vor.u32 $0x200, v1;
	v13 =	vld.idx.msk [tilespmem:v13+s21+$0x0], $0xffff;
	[tilespmem:s14+$0x100] =	vst v20  }
0x278: {  	v12 =	vld.idx.msk [tilespmem:v12+s21+$0x0], $0xffff;
	_ =	sdelay $0x1  }
0x279: {  	p0 =	por !p0, !p0;
	s0 =	simm.s32 $0x1;
	[tilespmem:s11+$0x180] =	vst v18  }
0x27a: {  	s0 =	simm.s32 @!p0 $0x0;
	[tilespmem:s2+$0x180] =	vst v17;
	v18 =	vld.idx.msk [tilespmem:v53+s21+$0x0], $0xffff  }
0x27b: {  	v55 =	vor.u32 $0x280, v2;
	s0 =	sshll.u32 s0, $0x6;
	[tilespmem:s5+$0x180] =	vst v13;
	v56 =	vld.idx.msk [tilespmem:v54+s21+$0x0], $0xffff  }
0x27c: {  	v57 =	vor.u32 $0x280, v1;
	s0 =	sadd.s32 s0, s8;
	v11 =	vld.idx.msk [tilespmem:v11+s21+$0x0], $0xffff;
	[tilespmem:s14+$0x180] =	vst v12  }
0x27d: {  	s1 =	sadd.s32 $0x30, s0;
	v9 =	vld.idx.msk [tilespmem:v9+s21+$0x0], $0xffff  }
0x27e: {  	s4 =	sor.u32 $0x200, s1  }
0x27f: {  	s15 =	sor.u32 $0x200, s0;
	s11 =	sadd.s32 $0x10, s0;
	[tilespmem:s4+$0xE400] =	vst v18  }
0x280: {  	s12 =	sadd.s32 $0x20, s0;
	s13 =	sor.u32 $0x200, s11;
	[tilespmem:s15+$0xE400] =	vst v56;
	v13 =	vld.idx.msk [tilespmem:v55+s21+$0x0], $0xffff  }
0x281: {  	v58 =	vor.u32 $0x300, v2;
	s14 =	sor.u32 $0x200, s12;
	[tilespmem:s13+$0xE400] =	vst v11;
	v59 =	vld.idx.msk [tilespmem:v57+s21+$0x0], $0xffff  }
0x282: {  	v60 =	vor.u32 $0x300, v1;
	v8 =	vld.idx.msk [tilespmem:v8+s21+$0x0], $0xffff;
	[tilespmem:s14+$0xE400] =	vst v9  }
0x283: {  	v7 =	vld.idx.msk [tilespmem:v7+s21+$0x0], $0xffff  }
0x284: {  	[tilespmem:s16+$0xE400] =	vst v14;
	s16 =	sor.u32 $0x280, s1  }
0x285: {  	s23 =	sor.u32 $0x280, s0;
	[tilespmem:s16+$0xE400] =	vst v13  }
0x286: {  	v0 =	vor.u32 $0x380, v0;
	s17 =	sor.u32 $0x280, s11;
	[tilespmem:s23+$0xE400] =	vst v59;
	v11 =	vld.idx.msk [tilespmem:v58+s21+$0x0], $0xffff  }
0x287: {  	v61 =	vor.u32 $0x380, v2;
	s22 =	sor.u32 $0x280, s12;
	[tilespmem:s17+$0xE400] =	vst v8;
	v62 =	vld.idx.msk [tilespmem:v60+s21+$0x0], $0xffff  }
0x288: {  	v63 =	vor.u32 $0x380, v1;
	v6 =	vld.idx.msk [tilespmem:v6+s21+$0x0], $0xffff;
	[tilespmem:s22+$0xE400] =	vst v7  }
0x289: {  	[tilespmem:s28+$0xE400] =	vst v15;
	v5 =	vld.idx.msk [tilespmem:v5+s21+$0x0], $0xffff  }
0x28a: {  	v3 =	vld.idx.msk [tilespmem:v3+s21+$0x0], $0xffff;
	[tilespmem:s31+$0xE400] =	vst v16;
	s24 =	sor.u32 $0x300, s1  }
0x28b: {  	v0 =	vld.idx.msk [tilespmem:v0+s21+$0x0], $0xffff;
	s0 =	sor.u32 $0x300, s0;
	[tilespmem:s24+$0xE400] =	vst v11  }
0x28c: {  	s25 =	sor.u32 $0x300, s11;
	[tilespmem:s0+$0xE400] =	vst v62;
	v2 =	vld.idx.msk [tilespmem:v61+s21+$0x0], $0xffff  }
0x28d: {  	s26 =	sor.u32 $0x300, s12;
	[tilespmem:s25+$0xE400] =	vst v6;
	v1 =	vld.idx.msk [tilespmem:v63+s21+$0x0], $0xffff  }
0x28e: {  	v4 =	vld.idx.msk [tilespmem:v4+s21+$0x0], $0xffff;
	[tilespmem:s26+$0xE400] =	vst v5  }
0x28f: {  	[tilespmem:s3+$0xE400] =	vst v3;
	v5 =	vld.idx.msk [tilespmem:v10+s21+$0x0], $0xffff  }
0x290: {  	s28 =	sor.u32 $0x380, s1;
	[tilespmem:s7+$0xE400] =	vst v0  }
0x291: {  	[tilespmem:s28+$0xE400] =	vst v2  }
0x292: {  	p0 =	seq.s32 s9, $0x7;
	s29 =	sor.u32 $0x380, s11;
	[tilespmem:s10+$0xE400] =	vst v1  }
.Ltmp15:
0x293: {  	s30 =	sor.u32 $0x380, s12;
	[tilespmem:s29+$0xE400] =	vst v4;
	(pc) =	sbr.rel @p0 .LBB2_24-.Ltmp15, $4  }
0x294: {  	[tilespmem:s30+$0xE400] =	vst v5  }
0x295: {  	s0 =	rddreg [dreg:$0xe]  }
0x296: {  	s31 =	simm.s32 $0xE400;
	s17 =	simm.s32 $0x0;
	s0 =	sadd.s32 s6, s0  }
0x297: {  	[hbm4b:s0+s17] =	stream.linear.scatter [tilespmem:s31], [sflag:$0x8], $0x2000, $0x38;
	[tilespmem:$0x10400] =	vst v63  }
.Ltmp16:
0x298: {  	(pc) =	sbr.rel .LBB2_2-.Ltmp16, $4  }
0x299: {  	s0 =	rddreg [dreg:$0xf]  }
0x29a: {  	s1 =	rddreg [dreg:$0x12]  }
0x29b: {  	s9 =	sadd.s32 $0x1, s9;
	s0 =	sadd.s32 s1, s0  }
0x29c: {  	[tilespmem:s21], [sflag:$0x4] =	stream.linear.gather [hbm4b:s0+s17], $0x2000, $0x38;
	[tilespmem:$0x10400] =	vst v63  }
.LBB2_25:
0x29d: {  	_ =	sfence.sel $0x180000  }
0x29e: {  	[bflag:$0x0] =	sbarrier.arrive $0xFFFF  }
0x29f: {  	_ =	strace $0x90000047  }
0x2a0: {  	s0 =	stileid.u32;
	[bflag:$0x2] =	sbarrier.arrive $0xFFFF  }
0x2a1: {  	p0 =	sne.s32 s0, $0x0;
	s0 =	rddreg [dreg:$0x3]  }
0x2a2: {  	s0 =	sadd.s32 @!p0 $0x100000, s0  }
0x2a3: {  	[sflag:s0] =	ssyncadd.tile.s32 @!p0 $0x1;
	_ =	shalt  }
.Lfunc_end2:
_tile_overlayer_lowered:
.L_overlay_start_2:
0x2a4: {  	(tag) =	ssettag $0x2  }
0x2a5: {  	s0 =	rddreg [dreg:$0x0];
	s2 =	stileid.u32  }
0x2a6: {  	s1 =	rddreg [dreg:$0x1];
	p0 =	sne.s32 s2, $0x0  }
0x2a7: {  	s3 =	rddreg [dreg:$0x2];
	[bflag:$0x3] =	sbarrier.arrive $0xFFFF;
	s2 =	simm.s32 @!p0 $0x1C09  }
0x2a8: {  	[timem:s3], [sflag:s2] =	dma.local @!p0 [hbm:s0], s1  }
0x2a9: {  	s0 =	simm.s32 @!p0 $0x9  }
0x2aa: {  	_ =	swait.ge @!p0 [sflag:s0], s1  }
0x2ab: {  	s1 =	ssub.s32 @!p0 $0x0, s1;
	[sflag:s0] =	ssyncset.done @!p0 $0x0  }
0x2ac: {  	[sflag:s0] =	ssyncadd.s32 @!p0 s1  }
0x2ad: {  	[bflag:$0x3] =	sbarrier.arrive $0xFFFF  }
0x2ae: {  	_ =	shalt  }

</sc_bundles>
